<compile_context>
chip_gen: v7x
topology: tpu7x:2x2x1
jax: 0.10.2.dev20260603
libtpu: 0.0.44.dev20260713+nightly
codegen_flags: <defaults>
</compile_context>

<pallas_src>
import jax
import jax.numpy as jnp
from jax import lax
from jax.experimental import pallas as pl
from jax.experimental.pallas import tpu as pltpu
from jax.experimental.pallas import tpu_sc as plsc

NUM_CORES = 2
NUM_SUBCORES = 16
LANES = 16
NUM_WORKERS = NUM_CORES * NUM_SUBCORES

BATCH = 16384
FACTORS = 32
B_PER_W = BATCH // NUM_WORKERS
GROUP = 4
N_GROUPS = B_PER_W // GROUP
PAD = LANES


def _sc_body(user_hbm, item_hbm, utabT, itabT, out_hbm,
             uidx_v, iidx_v, ustageA, istageA, ustageB, istageB, out_v,
             semA, semB):
    wid = lax.axis_index("s") * NUM_CORES + lax.axis_index("c")
    base = wid * B_PER_W

    pltpu.sync_copy(user_hbm.at[pl.ds(base, B_PER_W)],
                    uidx_v.at[pl.ds(0, B_PER_W)])
    pltpu.sync_copy(item_hbm.at[pl.ds(base, B_PER_W)],
                    iidx_v.at[pl.ds(0, B_PER_W)])

    lane = lax.iota(jnp.int32, LANES)
    slotv = lane & (GROUP - 1)
    lomask = lane < GROUP

    def issue(g, uset, iset, sem):
        uvec = uidx_v[pl.ds(g * GROUP, LANES)]
        ivec = iidx_v[pl.ds(g * GROUP, LANES)]
        handles = []
        for j in range(GROUP):
            ucs = pl.multiple_of((uvec[j] >> 7) * 128, 128)
            ics = pl.multiple_of((ivec[j] >> 7) * 128, 128)
            handles.append(pltpu.async_copy(
                utabT.at[:, pl.ds(ucs, 128)], uset.at[j], sem))
            handles.append(pltpu.async_copy(
                itabT.at[:, pl.ds(ics, 128)], iset.at[j], sem))
        return handles

    def drain(uset, iset, sem):
        for j in range(GROUP):
            pltpu.make_async_copy(
                utabT.at[:, pl.ds(0, 128)], uset.at[j], sem).wait()
            pltpu.make_async_copy(
                itabT.at[:, pl.ds(0, 128)], iset.at[j], sem).wait()

    def reduce_group(g, uset, iset):
        uvec = uidx_v[pl.ds(g * GROUP, LANES)]
        ivec = iidx_v[pl.ds(g * GROUP, LANES)]
        ucol = uvec & 127
        icol = ivec & 127
        acc = jnp.zeros((LANES,), jnp.float32)
        for f in range(FACTORS):
            fv = jnp.full((LANES,), f, jnp.int32)
            uval = plsc.load_gather(uset, [slotv, fv, ucol])
            ival = plsc.load_gather(iset, [slotv, fv, icol])
            acc = acc + uval * ival
        plsc.store_compressed(out_v.at[pl.ds(g * GROUP, LANES)], acc,
                              mask=lomask)

    issue(0, ustageA, istageA, semA)

    def pair(p, carry):
        gA = 2 * p
        gB = 2 * p + 1
        issue(gB, ustageB, istageB, semB)
        drain(ustageA, istageA, semA)
        reduce_group(gA, ustageA, istageA)
        gA2 = jnp.minimum(gA + 2, N_GROUPS - 1)
        issue(gA2, ustageA, istageA, semA)
        drain(ustageB, istageB, semB)
        reduce_group(gB, ustageB, istageB)
        return carry

    lax.fori_loop(0, N_GROUPS // 2, pair, 0)
    drain(ustageA, istageA, semA)

    pltpu.sync_copy(out_v.at[pl.ds(0, B_PER_W)],
                    out_hbm.at[pl.ds(base, B_PER_W)])


@jax.jit
def kernel(user, item, user_table, item_table):
    call = pl.kernel(
        _sc_body,
        out_type=jax.ShapeDtypeStruct((BATCH,), jnp.float32),
        mesh=plsc.VectorSubcoreMesh(
            core_axis_name="c", subcore_axis_name="s",
            num_cores=NUM_CORES, num_subcores=NUM_SUBCORES),
        compiler_params=pltpu.CompilerParams(
            needs_layout_passes=False, use_tc_tiling_on_sc=True),
        scratch_types=[
            pltpu.VMEM((B_PER_W + PAD,), jnp.int32),
            pltpu.VMEM((B_PER_W + PAD,), jnp.int32),
            pltpu.VMEM((GROUP, FACTORS, 128), jnp.float32),
            pltpu.VMEM((GROUP, FACTORS, 128), jnp.float32),
            pltpu.VMEM((GROUP, FACTORS, 128), jnp.float32),
            pltpu.VMEM((GROUP, FACTORS, 128), jnp.float32),
            pltpu.VMEM((B_PER_W + PAD,), jnp.float32),
            pltpu.SemaphoreType.DMA,
            pltpu.SemaphoreType.DMA,
        ],
    )
    return call(user.astype(jnp.int32), item.astype(jnp.int32),
                user_table.T, item_table.T)

# --- scband reference (transcript-rebuilt; emitter-appended) ---
"""Pipeline reference for scband-bprmf-46420006535847 (READ-ONLY COPY).

The authoritative reference and input builder live on the scoring server;
editing this copy changes nothing except your own understanding.
"""

import jax, jax.numpy as jnp
import numpy as np

NUM_USERS = 1000000
NUM_ITEMS = 1000000
FACTOR_NUM = 32
BATCH = 16384


def setup_inputs(seed: int = 0) -> dict:
    key = jax.random.key(seed)
    k1, k2, k3, k4 = jax.random.split(key, 4)
    user = jax.random.randint(k1, (BATCH,), 0, NUM_USERS, dtype=jnp.int64 if jax.config.jax_enable_x64 else jnp.int32)
    item = jax.random.randint(k2, (BATCH,), 0, NUM_ITEMS, dtype=jnp.int64 if jax.config.jax_enable_x64 else jnp.int32)
    user_table = jax.random.normal(k3, (NUM_USERS, FACTOR_NUM), dtype=jnp.float32)
    item_table = jax.random.normal(k4, (NUM_ITEMS, FACTOR_NUM), dtype=jnp.float32)
    return {"user": user, "item": item, "user_table": user_table, "item_table": item_table}


def reference(user, item, user_table, item_table):
    # BPRMF.forward: dot product of user and item embeddings
    user_emb = jnp.take(user_table, user, axis=0)  # [B, F]
    item_emb = jnp.take(item_table, item, axis=0)  # [B, F]
    return (user_emb * item_emb).sum(axis=1)  # [B]

if __name__ == "__main__":
    import jax
    _d = setup_inputs()
    print(jax.jit(kernel)(*tuple(_d.values())))

</pallas_src>

<mosaic_0001>
#map = affine_map<(d0, d1) -> (0)>
#map1 = affine_map<(d0, d1) -> (0, 0)>
module attributes {stable_mosaic.version = 14 : i64} {
  func.func @_sc_body(%arg0: i32, %arg1: i32, %arg2: memref<16384xi32, #tpu.memory_space<hbm>>, %arg3: memref<16384xi32, #tpu.memory_space<hbm>>, %arg4: memref<32x1000000xf32, #tpu.memory_space<hbm>>, %arg5: memref<32x1000000xf32, #tpu.memory_space<hbm>>, %arg6: memref<16384xf32, #tpu.memory_space<hbm>>, %arg7: memref<528xi32, #tpu.memory_space<vmem>>, %arg8: memref<528xi32, #tpu.memory_space<vmem>>, %arg9: memref<4x32x128xf32, #tpu.memory_space<vmem>>, %arg10: memref<4x32x128xf32, #tpu.memory_space<vmem>>, %arg11: memref<4x32x128xf32, #tpu.memory_space<vmem>>, %arg12: memref<4x32x128xf32, #tpu.memory_space<vmem>>, %arg13: memref<528xf32, #tpu.memory_space<vmem>>, %arg14: memref<!tpu.dma_semaphore, #tpu.memory_space<semaphore_mem>>, %arg15: memref<!tpu.dma_semaphore, #tpu.memory_space<semaphore_mem>>) attributes {dimension_semantics = [#tpu.dimension_semantics<core_parallel>, #tpu.dimension_semantics<subcore_parallel>], iteration_bounds = array<i64: 2, 16>, scalar_prefetch = 0 : i64, scratch_operands = 9 : i64, tpu.core_type = #tpu.core_type<sc_vector_subcore>, window_params = [{transform_indices = #map}, {transform_indices = #map}, {transform_indices = #map1}, {transform_indices = #map1}, {transform_indices = #map}]} {
    %mul3A = arith.constant 2 : i32
    %mul3A_0 = arith.muli %arg1, %mul3A : i32
    %add3A = arith.addi %mul3A_0, %arg0 : i32
    %mul3A_1 = arith.constant 512 : i32
    %mul3A_2 = arith.muli %add3A, %mul3A_1 : i32
    "tpu.region"() ({
      %run_scoped3A = tpu.sem_alloc : memref<!tpu.dma_semaphore, #tpu.memory_space<semaphore_mem>>
      %dma_start3A_289 = arith.constant 0 : i32
      %dma_start3A_290 = tpu.memref_slice %arg7[%dma_start3A_289] : memref<528xi32, #tpu.memory_space<vmem>> -> memref<512xi32, #tpu.memory_space<vmem>>
      %dma_start3A_291 = tpu.memref_slice %arg2[%mul3A_2] : memref<16384xi32, #tpu.memory_space<hbm>> -> memref<512xi32, #tpu.memory_space<hbm>>
      %dma_start3A_292 = arith.constant 0 : i32
      %dma_start3A_293 = tpu.memref_slice %arg7[%dma_start3A_292] : memref<528xi32, #tpu.memory_space<vmem>> -> memref<512xi32, #tpu.memory_space<vmem>>
      %dma_start3A_294 = tpu.memref_slice %arg2[%mul3A_2] : memref<16384xi32, #tpu.memory_space<hbm>> -> memref<512xi32, #tpu.memory_space<hbm>>
      tpu.enqueue_dma source(%dma_start3A_294 : memref<512xi32, #tpu.memory_space<hbm>>) target(%dma_start3A_293 : memref<512xi32, #tpu.memory_space<vmem>>) target_semaphore(%run_scoped3A : memref<!tpu.dma_semaphore, #tpu.memory_space<semaphore_mem>>)
      %dma_wait3A_295 = arith.constant 0 : i32
      %dma_wait3A_296 = tpu.memref_slice %arg7[%dma_wait3A_295] : memref<528xi32, #tpu.memory_space<vmem>> -> memref<512xi32, #tpu.memory_space<vmem>>
      %dma_wait3A_297 = tpu.memref_slice %arg2[%mul3A_2] : memref<16384xi32, #tpu.memory_space<hbm>> -> memref<512xi32, #tpu.memory_space<hbm>>
      %dma_wait3A_298 = arith.constant 0 : i32
      %dma_wait3A_299 = tpu.memref_slice %arg7[%dma_wait3A_298] : memref<528xi32, #tpu.memory_space<vmem>> -> memref<512xi32, #tpu.memory_space<vmem>>
      %dma_wait3A_300 = tpu.memref_slice %arg2[%mul3A_2] : memref<16384xi32, #tpu.memory_space<hbm>> -> memref<512xi32, #tpu.memory_space<hbm>>
      tpu.wait_dma2 semaphore(%run_scoped3A : memref<!tpu.dma_semaphore, #tpu.memory_space<semaphore_mem>>) src(%dma_wait3A_300 : memref<512xi32, #tpu.memory_space<hbm>>) dst(%dma_wait3A_299 : memref<512xi32, #tpu.memory_space<vmem>>)
      tpu.yield
    }) : () -> ()
    "tpu.region"() ({
      %run_scoped3A = tpu.sem_alloc : memref<!tpu.dma_semaphore, #tpu.memory_space<semaphore_mem>>
      %dma_start3A_289 = arith.constant 0 : i32
      %dma_start3A_290 = tpu.memref_slice %arg8[%dma_start3A_289] : memref<528xi32, #tpu.memory_space<vmem>> -> memref<512xi32, #tpu.memory_space<vmem>>
      %dma_start3A_291 = tpu.memref_slice %arg3[%mul3A_2] : memref<16384xi32, #tpu.memory_space<hbm>> -> memref<512xi32, #tpu.memory_space<hbm>>
      %dma_start3A_292 = arith.constant 0 : i32
      %dma_start3A_293 = tpu.memref_slice %arg8[%dma_start3A_292] : memref<528xi32, #tpu.memory_space<vmem>> -> memref<512xi32, #tpu.memory_space<vmem>>
      %dma_start3A_294 = tpu.memref_slice %arg3[%mul3A_2] : memref<16384xi32, #tpu.memory_space<hbm>> -> memref<512xi32, #tpu.memory_space<hbm>>
      tpu.enqueue_dma source(%dma_start3A_294 : memref<512xi32, #tpu.memory_space<hbm>>) target(%dma_start3A_293 : memref<512xi32, #tpu.memory_space<vmem>>) target_semaphore(%run_scoped3A : memref<!tpu.dma_semaphore, #tpu.memory_space<semaphore_mem>>)
      %dma_wait3A_295 = arith.constant 0 : i32
      %dma_wait3A_296 = tpu.memref_slice %arg8[%dma_wait3A_295] : memref<528xi32, #tpu.memory_space<vmem>> -> memref<512xi32, #tpu.memory_space<vmem>>
      %dma_wait3A_297 = tpu.memref_slice %arg3[%mul3A_2] : memref<16384xi32, #tpu.memory_space<hbm>> -> memref<512xi32, #tpu.memory_space<hbm>>
      %dma_wait3A_298 = arith.constant 0 : i32
      %dma_wait3A_299 = tpu.memref_slice %arg8[%dma_wait3A_298] : memref<528xi32, #tpu.memory_space<vmem>> -> memref<512xi32, #tpu.memory_space<vmem>>
      %dma_wait3A_300 = tpu.memref_slice %arg3[%mul3A_2] : memref<16384xi32, #tpu.memory_space<hbm>> -> memref<512xi32, #tpu.memory_space<hbm>>
      tpu.wait_dma2 semaphore(%run_scoped3A : memref<!tpu.dma_semaphore, #tpu.memory_space<semaphore_mem>>) src(%dma_wait3A_300 : memref<512xi32, #tpu.memory_space<hbm>>) dst(%dma_wait3A_299 : memref<512xi32, #tpu.memory_space<vmem>>)
      tpu.yield
    }) : () -> ()
    %iota3A = tpu.iota {dimensions = array<i32: 0>} : vector<16xi32>
    %and3A = arith.constant 3 : i32
    %and3A_3 = vector.broadcast %and3A : i32 to vector<16xi32>
    %and3A_4 = arith.andi %iota3A, %and3A_3 : vector<16xi32>
    %lt3A = arith.constant 4 : i32
    %lt3A_5 = vector.broadcast %lt3A : i32 to vector<16xi32>
    %lt3A_6 = arith.cmpi slt, %iota3A, %lt3A_5 : vector<16xi32>
    %get3A = arith.constant 0 : index
    %get3A_7 = tpu.vector_load %arg7[%get3A] {strides = array<i32>} : memref<528xi32, #tpu.memory_space<vmem>>, vector<16xi32>,
    %get3A_8 = arith.constant 0 : index
    %get3A_9 = tpu.vector_load %arg8[%get3A_8] {strides = array<i32>} : memref<528xi32, #tpu.memory_space<vmem>>, vector<16xi32>,
    %slice3A = vector.extract_strided_slice %get3A_7 {offsets = [0], sizes = [1], strides = [1]} : vector<16xi32> to vector<1xi32>
    %squeeze3A = vector.extract %slice3A[0] : i32 from vector<1xi32>
    %shift_right_arithmetic3A = arith.constant 7 : i32
    %shift_right_arithmetic3A_10 = arith.shrsi %squeeze3A, %shift_right_arithmetic3A : i32
    %mul3A_11 = arith.constant 128 : i32
    %mul3A_12 = arith.muli %shift_right_arithmetic3A_10, %mul3A_11 : i32
    %multiple_of3A = tpu.assume_multiple %mul3A_12, 128 : i32
    %slice3A_13 = vector.extract_strided_slice %get3A_9 {offsets = [0], sizes = [1], strides = [1]} : vector<16xi32> to vector<1xi32>
    %squeeze3A_14 = vector.extract %slice3A_13[0] : i32 from vector<1xi32>
    %shift_right_arithmetic3A_15 = arith.constant 7 : i32
    %shift_right_arithmetic3A_16 = arith.shrsi %squeeze3A_14, %shift_right_arithmetic3A_15 : i32
    %mul3A_17 = arith.constant 128 : i32
    %mul3A_18 = arith.muli %shift_right_arithmetic3A_16, %mul3A_17 : i32
    %multiple_of3A_19 = tpu.assume_multiple %mul3A_18, 128 : i32
    %dma_start3A = arith.constant 0 : i32
    %dma_start3A_20 = arith.constant 0 : i32
    %dma_start3A_21 = arith.constant 0 : i32
    %dma_start3A_22 = tpu.memref_slice %arg9[%dma_start3A, %dma_start3A_20, %dma_start3A_21] : memref<4x32x128xf32, #tpu.memory_space<vmem>> -> memref<1x32x128xf32, #tpu.memory_space<vmem>>
    %dma_start3A_23 = tpu.memref_squeeze %dma_start3A_22 : memref<1x32x128xf32, #tpu.memory_space<vmem>> -> memref<32x128xf32, #tpu.memory_space<vmem>>
    %dma_start3A_24 = arith.constant 0 : i32
    %dma_start3A_25 = tpu.memref_slice %arg4[%dma_start3A_24, %multiple_of3A] : memref<32x1000000xf32, #tpu.memory_space<hbm>> -> memref<32x128xf32, #tpu.memory_space<hbm>>
    %dma_start3A_26 = arith.constant 0 : i32
    %dma_start3A_27 = arith.constant 0 : i32
    %dma_start3A_28 = tpu.memref_slice %arg9[%dma_start3A, %dma_start3A_26, %dma_start3A_27] : memref<4x32x128xf32, #tpu.memory_space<vmem>> -> memref<1x32x128xf32, #tpu.memory_space<vmem>>
    %dma_start3A_29 = tpu.memref_squeeze %dma_start3A_28 : memref<1x32x128xf32, #tpu.memory_space<vmem>> -> memref<32x128xf32, #tpu.memory_space<vmem>>
    %dma_start3A_30 = arith.constant 0 : i32
    %dma_start3A_31 = tpu.memref_slice %arg4[%dma_start3A_30, %multiple_of3A] : memref<32x1000000xf32, #tpu.memory_space<hbm>> -> memref<32x128xf32, #tpu.memory_space<hbm>>
    tpu.enqueue_dma source(%dma_start3A_31 : memref<32x128xf32, #tpu.memory_space<hbm>>) target(%dma_start3A_29 : memref<32x128xf32, #tpu.memory_space<vmem>>) target_semaphore(%arg14 : memref<!tpu.dma_semaphore, #tpu.memory_space<semaphore_mem>>)
    %dma_start3A_32 = arith.constant 0 : i32
    %dma_start3A_33 = arith.constant 0 : i32
    %dma_start3A_34 = arith.constant 0 : i32
    %dma_start3A_35 = tpu.memref_slice %arg10[%dma_start3A_32, %dma_start3A_33, %dma_start3A_34] : memref<4x32x128xf32, #tpu.memory_space<vmem>> -> memref<1x32x128xf32, #tpu.memory_space<vmem>>
    %dma_start3A_36 = tpu.memref_squeeze %dma_start3A_35 : memref<1x32x128xf32, #tpu.memory_space<vmem>> -> memref<32x128xf32, #tpu.memory_space<vmem>>
    %dma_start3A_37 = arith.constant 0 : i32
    %dma_start3A_38 = tpu.memref_slice %arg5[%dma_start3A_37, %multiple_of3A_19] : memref<32x1000000xf32, #tpu.memory_space<hbm>> -> memref<32x128xf32, #tpu.memory_space<hbm>>
    %dma_start3A_39 = arith.constant 0 : i32
    %dma_start3A_40 = arith.constant 0 : i32
    %dma_start3A_41 = tpu.memref_slice %arg10[%dma_start3A_32, %dma_start3A_39, %dma_start3A_40] : memref<4x32x128xf32, #tpu.memory_space<vmem>> -> memref<1x32x128xf32, #tpu.memory_space<vmem>>
    %dma_start3A_42 = tpu.memref_squeeze %dma_start3A_41 : memref<1x32x128xf32, #tpu.memory_space<vmem>> -> memref<32x128xf32, #tpu.memory_space<vmem>>
    %dma_start3A_43 = arith.constant 0 : i32
    %dma_start3A_44 = tpu.memref_slice %arg5[%dma_start3A_43, %multiple_of3A_19] : memref<32x1000000xf32, #tpu.memory_space<hbm>> -> memref<32x128xf32, #tpu.memory_space<hbm>>
    tpu.enqueue_dma source(%dma_start3A_44 : memref<32x128xf32, #tpu.memory_space<hbm>>) target(%dma_start3A_42 : memref<32x128xf32, #tpu.memory_space<vmem>>) target_semaphore(%arg14 : memref<!tpu.dma_semaphore, #tpu.memory_space<semaphore_mem>>)
    %slice3A_45 = vector.extract_strided_slice %get3A_7 {offsets = [1], sizes = [1], strides = [1]} : vector<16xi32> to vector<1xi32>
    %squeeze3A_46 = vector.extract %slice3A_45[0] : i32 from vector<1xi32>
    %shift_right_arithmetic3A_47 = arith.constant 7 : i32
    %shift_right_arithmetic3A_48 = arith.shrsi %squeeze3A_46, %shift_right_arithmetic3A_47 : i32
    %mul3A_49 = arith.constant 128 : i32
    %mul3A_50 = arith.muli %shift_right_arithmetic3A_48, %mul3A_49 : i32
    %multiple_of3A_51 = tpu.assume_multiple %mul3A_50, 128 : i32
    %slice3A_52 = vector.extract_strided_slice %get3A_9 {offsets = [1], sizes = [1], strides = [1]} : vector<16xi32> to vector<1xi32>
    %squeeze3A_53 = vector.extract %slice3A_52[0] : i32 from vector<1xi32>
    %shift_right_arithmetic3A_54 = arith.constant 7 : i32
    %shift_right_arithmetic3A_55 = arith.shrsi %squeeze3A_53, %shift_right_arithmetic3A_54 : i32
    %mul3A_56 = arith.constant 128 : i32
    %mul3A_57 = arith.muli %shift_right_arithmetic3A_55, %mul3A_56 : i32
    %multiple_of3A_58 = tpu.assume_multiple %mul3A_57, 128 : i32
    %dma_start3A_59 = arith.constant 1 : i32
    %dma_start3A_60 = arith.constant 0 : i32
    %dma_start3A_61 = arith.constant 0 : i32
    %dma_start3A_62 = tpu.memref_slice %arg9[%dma_start3A_59, %dma_start3A_60, %dma_start3A_61] : memref<4x32x128xf32, #tpu.memory_space<vmem>> -> memref<1x32x128xf32, #tpu.memory_space<vmem>>
    %dma_start3A_63 = tpu.memref_squeeze %dma_start3A_62 : memref<1x32x128xf32, #tpu.memory_space<vmem>> -> memref<32x128xf32, #tpu.memory_space<vmem>>
    %dma_start3A_64 = arith.constant 0 : i32
    %dma_start3A_65 = tpu.memref_slice %arg4[%dma_start3A_64, %multiple_of3A_51] : memref<32x1000000xf32, #tpu.memory_space<hbm>> -> memref<32x128xf32, #tpu.memory_space<hbm>>
    %dma_start3A_66 = arith.constant 0 : i32
    %dma_start3A_67 = arith.constant 0 : i32
    %dma_start3A_68 = tpu.memref_slice %arg9[%dma_start3A_59, %dma_start3A_66, %dma_start3A_67] : memref<4x32x128xf32, #tpu.memory_space<vmem>> -> memref<1x32x128xf32, #tpu.memory_space<vmem>>
    %dma_start3A_69 = tpu.memref_squeeze %dma_start3A_68 : memref<1x32x128xf32, #tpu.memory_space<vmem>> -> memref<32x128xf32, #tpu.memory_space<vmem>>
    %dma_start3A_70 = arith.constant 0 : i32
    %dma_start3A_71 = tpu.memref_slice %arg4[%dma_start3A_70, %multiple_of3A_51] : memref<32x1000000xf32, #tpu.memory_space<hbm>> -> memref<32x128xf32, #tpu.memory_space<hbm>>
    tpu.enqueue_dma source(%dma_start3A_71 : memref<32x128xf32, #tpu.memory_space<hbm>>) target(%dma_start3A_69 : memref<32x128xf32, #tpu.memory_space<vmem>>) target_semaphore(%arg14 : memref<!tpu.dma_semaphore, #tpu.memory_space<semaphore_mem>>)
    %dma_start3A_72 = arith.constant 1 : i32
    %dma_start3A_73 = arith.constant 0 : i32
    %dma_start3A_74 = arith.constant 0 : i32
    %dma_start3A_75 = tpu.memref_slice %arg10[%dma_start3A_72, %dma_start3A_73, %dma_start3A_74] : memref<4x32x128xf32, #tpu.memory_space<vmem>> -> memref<1x32x128xf32, #tpu.memory_space<vmem>>
    %dma_start3A_76 = tpu.memref_squeeze %dma_start3A_75 : memref<1x32x128xf32, #tpu.memory_space<vmem>> -> memref<32x128xf32, #tpu.memory_space<vmem>>
    %dma_start3A_77 = arith.constant 0 : i32
    %dma_start3A_78 = tpu.memref_slice %arg5[%dma_start3A_77, %multiple_of3A_58] : memref<32x1000000xf32, #tpu.memory_space<hbm>> -> memref<32x128xf32, #tpu.memory_space<hbm>>
    %dma_start3A_79 = arith.constant 0 : i32
    %dma_start3A_80 = arith.constant 0 : i32
    %dma_start3A_81 = tpu.memref_slice %arg10[%dma_start3A_72, %dma_start3A_79, %dma_start3A_80] : memref<4x32x128xf32, #tpu.memory_space<vmem>> -> memref<1x32x128xf32, #tpu.memory_space<vmem>>
    %dma_start3A_82 = tpu.memref_squeeze %dma_start3A_81 : memref<1x32x128xf32, #tpu.memory_space<vmem>> -> memref<32x128xf32, #tpu.memory_space<vmem>>
    %dma_start3A_83 = arith.constant 0 : i32
    %dma_start3A_84 = tpu.memref_slice %arg5[%dma_start3A_83, %multiple_of3A_58] : memref<32x1000000xf32, #tpu.memory_space<hbm>> -> memref<32x128xf32, #tpu.memory_space<hbm>>
    tpu.enqueue_dma source(%dma_start3A_84 : memref<32x128xf32, #tpu.memory_space<hbm>>) target(%dma_start3A_82 : memref<32x128xf32, #tpu.memory_space<vmem>>) target_semaphore(%arg14 : memref<!tpu.dma_semaphore, #tpu.memory_space<semaphore_mem>>)
    %slice3A_85 = vector.extract_strided_slice %get3A_7 {offsets = [2], sizes = [1], strides = [1]} : vector<16xi32> to vector<1xi32>
    %squeeze3A_86 = vector.extract %slice3A_85[0] : i32 from vector<1xi32>
    %shift_right_arithmetic3A_87 = arith.constant 7 : i32
    %shift_right_arithmetic3A_88 = arith.shrsi %squeeze3A_86, %shift_right_arithmetic3A_87 : i32
    %mul3A_89 = arith.constant 128 : i32
    %mul3A_90 = arith.muli %shift_right_arithmetic3A_88, %mul3A_89 : i32
    %multiple_of3A_91 = tpu.assume_multiple %mul3A_90, 128 : i32
    %slice3A_92 = vector.extract_strided_slice %get3A_9 {offsets = [2], sizes = [1], strides = [1]} : vector<16xi32> to vector<1xi32>
    %squeeze3A_93 = vector.extract %slice3A_92[0] : i32 from vector<1xi32>
    %shift_right_arithmetic3A_94 = arith.constant 7 : i32
    %shift_right_arithmetic3A_95 = arith.shrsi %squeeze3A_93, %shift_right_arithmetic3A_94 : i32
    %mul3A_96 = arith.constant 128 : i32
    %mul3A_97 = arith.muli %shift_right_arithmetic3A_95, %mul3A_96 : i32
    %multiple_of3A_98 = tpu.assume_multiple %mul3A_97, 128 : i32
    %dma_start3A_99 = arith.constant 2 : i32
    %dma_start3A_100 = arith.constant 0 : i32
    %dma_start3A_101 = arith.constant 0 : i32
    %dma_start3A_102 = tpu.memref_slice %arg9[%dma_start3A_99, %dma_start3A_100, %dma_start3A_101] : memref<4x32x128xf32, #tpu.memory_space<vmem>> -> memref<1x32x128xf32, #tpu.memory_space<vmem>>
    %dma_start3A_103 = tpu.memref_squeeze %dma_start3A_102 : memref<1x32x128xf32, #tpu.memory_space<vmem>> -> memref<32x128xf32, #tpu.memory_space<vmem>>
    %dma_start3A_104 = arith.constant 0 : i32
    %dma_start3A_105 = tpu.memref_slice %arg4[%dma_start3A_104, %multiple_of3A_91] : memref<32x1000000xf32, #tpu.memory_space<hbm>> -> memref<32x128xf32, #tpu.memory_space<hbm>>
    %dma_start3A_106 = arith.constant 0 : i32
    %dma_start3A_107 = arith.constant 0 : i32
    %dma_start3A_108 = tpu.memref_slice %arg9[%dma_start3A_99, %dma_start3A_106, %dma_start3A_107] : memref<4x32x128xf32, #tpu.memory_space<vmem>> -> memref<1x32x128xf32, #tpu.memory_space<vmem>>
    %dma_start3A_109 = tpu.memref_squeeze %dma_start3A_108 : memref<1x32x128xf32, #tpu.memory_space<vmem>> -> memref<32x128xf32, #tpu.memory_space<vmem>>
    %dma_start3A_110 = arith.constant 0 : i32
    %dma_start3A_111 = tpu.memref_slice %arg4[%dma_start3A_110, %multiple_of3A_91] : memref<32x1000000xf32, #tpu.memory_space<hbm>> -> memref<32x128xf32, #tpu.memory_space<hbm>>
    tpu.enqueue_dma source(%dma_start3A_111 : memref<32x128xf32, #tpu.memory_space<hbm>>) target(%dma_start3A_109 : memref<32x128xf32, #tpu.memory_space<vmem>>) target_semaphore(%arg14 : memref<!tpu.dma_semaphore, #tpu.memory_space<semaphore_mem>>)
    %dma_start3A_112 = arith.constant 2 : i32
    %dma_start3A_113 = arith.constant 0 : i32
    %dma_start3A_114 = arith.constant 0 : i32
    %dma_start3A_115 = tpu.memref_slice %arg10[%dma_start3A_112, %dma_start3A_113, %dma_start3A_114] : memref<4x32x128xf32, #tpu.memory_space<vmem>> -> memref<1x32x128xf32, #tpu.memory_space<vmem>>
    %dma_start3A_116 = tpu.memref_squeeze %dma_start3A_115 : memref<1x32x128xf32, #tpu.memory_space<vmem>> -> memref<32x128xf32, #tpu.memory_space<vmem>>
    %dma_start3A_117 = arith.constant 0 : i32
    %dma_start3A_118 = tpu.memref_slice %arg5[%dma_start3A_117, %multiple_of3A_98] : memref<32x1000000xf32, #tpu.memory_space<hbm>> -> memref<32x128xf32, #tpu.memory_space<hbm>>
    %dma_start3A_119 = arith.constant 0 : i32
    %dma_start3A_120 = arith.constant 0 : i32
    %dma_start3A_121 = tpu.memref_slice %arg10[%dma_start3A_112, %dma_start3A_119, %dma_start3A_120] : memref<4x32x128xf32, #tpu.memory_space<vmem>> -> memref<1x32x128xf32, #tpu.memory_space<vmem>>
    %dma_start3A_122 = tpu.memref_squeeze %dma_start3A_121 : memref<1x32x128xf32, #tpu.memory_space<vmem>> -> memref<32x128xf32, #tpu.memory_space<vmem>>
    %dma_start3A_123 = arith.constant 0 : i32
    %dma_start3A_124 = tpu.memref_slice %arg5[%dma_start3A_123, %multiple_of3A_98] : memref<32x1000000xf32, #tpu.memory_space<hbm>> -> memref<32x128xf32, #tpu.memory_space<hbm>>
    tpu.enqueue_dma source(%dma_start3A_124 : memref<32x128xf32, #tpu.memory_space<hbm>>) target(%dma_start3A_122 : memref<32x128xf32, #tpu.memory_space<vmem>>) target_semaphore(%arg14 : memref<!tpu.dma_semaphore, #tpu.memory_space<semaphore_mem>>)
    %slice3A_125 = vector.extract_strided_slice %get3A_7 {offsets = [3], sizes = [1], strides = [1]} : vector<16xi32> to vector<1xi32>
    %squeeze3A_126 = vector.extract %slice3A_125[0] : i32 from vector<1xi32>
    %shift_right_arithmetic3A_127 = arith.constant 7 : i32
    %shift_right_arithmetic3A_128 = arith.shrsi %squeeze3A_126, %shift_right_arithmetic3A_127 : i32
    %mul3A_129 = arith.constant 128 : i32
    %mul3A_130 = arith.muli %shift_right_arithmetic3A_128, %mul3A_129 : i32
    %multiple_of3A_131 = tpu.assume_multiple %mul3A_130, 128 : i32
    %slice3A_132 = vector.extract_strided_slice %get3A_9 {offsets = [3], sizes = [1], strides = [1]} : vector<16xi32> to vector<1xi32>
    %squeeze3A_133 = vector.extract %slice3A_132[0] : i32 from vector<1xi32>
    %shift_right_arithmetic3A_134 = arith.constant 7 : i32
    %shift_right_arithmetic3A_135 = arith.shrsi %squeeze3A_133, %shift_right_arithmetic3A_134 : i32
    %mul3A_136 = arith.constant 128 : i32
    %mul3A_137 = arith.muli %shift_right_arithmetic3A_135, %mul3A_136 : i32
    %multiple_of3A_138 = tpu.assume_multiple %mul3A_137, 128 : i32
    %dma_start3A_139 = arith.constant 3 : i32
    %dma_start3A_140 = arith.constant 0 : i32
    %dma_start3A_141 = arith.constant 0 : i32
    %dma_start3A_142 = tpu.memref_slice %arg9[%dma_start3A_139, %dma_start3A_140, %dma_start3A_141] : memref<4x32x128xf32, #tpu.memory_space<vmem>> -> memref<1x32x128xf32, #tpu.memory_space<vmem>>
    %dma_start3A_143 = tpu.memref_squeeze %dma_start3A_142 : memref<1x32x128xf32, #tpu.memory_space<vmem>> -> memref<32x128xf32, #tpu.memory_space<vmem>>
    %dma_start3A_144 = arith.constant 0 : i32
    %dma_start3A_145 = tpu.memref_slice %arg4[%dma_start3A_144, %multiple_of3A_131] : memref<32x1000000xf32, #tpu.memory_space<hbm>> -> memref<32x128xf32, #tpu.memory_space<hbm>>
    %dma_start3A_146 = arith.constant 0 : i32
    %dma_start3A_147 = arith.constant 0 : i32
    %dma_start3A_148 = tpu.memref_slice %arg9[%dma_start3A_139, %dma_start3A_146, %dma_start3A_147] : memref<4x32x128xf32, #tpu.memory_space<vmem>> -> memref<1x32x128xf32, #tpu.memory_space<vmem>>
    %dma_start3A_149 = tpu.memref_squeeze %dma_start3A_148 : memref<1x32x128xf32, #tpu.memory_space<vmem>> -> memref<32x128xf32, #tpu.memory_space<vmem>>
    %dma_start3A_150 = arith.constant 0 : i32
    %dma_start3A_151 = tpu.memref_slice %arg4[%dma_start3A_150, %multiple_of3A_131] : memref<32x1000000xf32, #tpu.memory_space<hbm>> -> memref<32x128xf32, #tpu.memory_space<hbm>>
    tpu.enqueue_dma source(%dma_start3A_151 : memref<32x128xf32, #tpu.memory_space<hbm>>) target(%dma_start3A_149 : memref<32x128xf32, #tpu.memory_space<vmem>>) target_semaphore(%arg14 : memref<!tpu.dma_semaphore, #tpu.memory_space<semaphore_mem>>)
    %dma_start3A_152 = arith.constant 3 : i32
    %dma_start3A_153 = arith.constant 0 : i32
    %dma_start3A_154 = arith.constant 0 : i32
    %dma_start3A_155 = tpu.memref_slice %arg10[%dma_start3A_152, %dma_start3A_153, %dma_start3A_154] : memref<4x32x128xf32, #tpu.memory_space<vmem>> -> memref<1x32x128xf32, #tpu.memory_space<vmem>>
    %dma_start3A_156 = tpu.memref_squeeze %dma_start3A_155 : memref<1x32x128xf32, #tpu.memory_space<vmem>> -> memref<32x128xf32, #tpu.memory_space<vmem>>
    %dma_start3A_157 = arith.constant 0 : i32
    %dma_start3A_158 = tpu.memref_slice %arg5[%dma_start3A_157, %multiple_of3A_138] : memref<32x1000000xf32, #tpu.memory_space<hbm>> -> memref<32x128xf32, #tpu.memory_space<hbm>>
    %dma_start3A_159 = arith.constant 0 : i32
    %dma_start3A_160 = arith.constant 0 : i32
    %dma_start3A_161 = tpu.memref_slice %arg10[%dma_start3A_152, %dma_start3A_159, %dma_start3A_160] : memref<4x32x128xf32, #tpu.memory_space<vmem>> -> memref<1x32x128xf32, #tpu.memory_space<vmem>>
    %dma_start3A_162 = tpu.memref_squeeze %dma_start3A_161 : memref<1x32x128xf32, #tpu.memory_space<vmem>> -> memref<32x128xf32, #tpu.memory_space<vmem>>
    %dma_start3A_163 = arith.constant 0 : i32
    %dma_start3A_164 = tpu.memref_slice %arg5[%dma_start3A_163, %multiple_of3A_138] : memref<32x1000000xf32, #tpu.memory_space<hbm>> -> memref<32x128xf32, #tpu.memory_space<hbm>>
    tpu.enqueue_dma source(%dma_start3A_164 : memref<32x128xf32, #tpu.memory_space<hbm>>) target(%dma_start3A_162 : memref<32x128xf32, #tpu.memory_space<vmem>>) target_semaphore(%arg14 : memref<!tpu.dma_semaphore, #tpu.memory_space<semaphore_mem>>)
    %scan3A = arith.constant 0 : i32
    %scan3A_165 = arith.constant 0 : i32
    %scan3A_166 = arith.constant 64 : i32
    %scan3A_167 = arith.addi %scan3A_165, %scan3A_166 : i32
    %scan3A_168 = arith.constant 1 : i32
    scf.for %scan3A_289 = %scan3A_165 to %scan3A_167 step %scan3A_168  : i32 {
      %mul3A_290 = arith.constant 2 : i32
      %mul3A_291 = arith.muli %mul3A_290, %scan3A_289 : i32
      %mul3A_292 = arith.constant 2 : i32
      %mul3A_293 = arith.muli %mul3A_292, %scan3A_289 : i32
      %add3A_294 = arith.constant 1 : i32
      %add3A_295 = arith.addi %mul3A_293, %add3A_294 : i32
      %mul3A_296 = arith.constant 4 : i32
      %mul3A_297 = arith.muli %add3A_295, %mul3A_296 : i32
      %get3A_298 = arith.index_cast %mul3A_297 : i32 to index
      %get3A_299 = tpu.vector_load %arg7[%get3A_298] {strides = array<i32>} : memref<528xi32, #tpu.memory_space<vmem>>, vector<16xi32>,
      %mul3A_300 = arith.constant 4 : i32
      %mul3A_301 = arith.muli %add3A_295, %mul3A_300 : i32
      %get3A_302 = arith.index_cast %mul3A_301 : i32 to index
      %get3A_303 = tpu.vector_load %arg8[%get3A_302] {strides = array<i32>} : memref<528xi32, #tpu.memory_space<vmem>>, vector<16xi32>,
      %slice3A_304 = vector.extract_strided_slice %get3A_299 {offsets = [0], sizes = [1], strides = [1]} : vector<16xi32> to vector<1xi32>
      %squeeze3A_305 = vector.extract %slice3A_304[0] : i32 from vector<1xi32>
      %shift_right_arithmetic3A_306 = arith.constant 7 : i32
      %shift_right_arithmetic3A_307 = arith.shrsi %squeeze3A_305, %shift_right_arithmetic3A_306 : i32
      %mul3A_308 = arith.constant 128 : i32
      %mul3A_309 = arith.muli %shift_right_arithmetic3A_307, %mul3A_308 : i32
      %multiple_of3A_310 = tpu.assume_multiple %mul3A_309, 128 : i32
      %slice3A_311 = vector.extract_strided_slice %get3A_303 {offsets = [0], sizes = [1], strides = [1]} : vector<16xi32> to vector<1xi32>
      %squeeze3A_312 = vector.extract %slice3A_311[0] : i32 from vector<1xi32>
      %shift_right_arithmetic3A_313 = arith.constant 7 : i32
      %shift_right_arithmetic3A_314 = arith.shrsi %squeeze3A_312, %shift_right_arithmetic3A_313 : i32
      %mul3A_315 = arith.constant 128 : i32
      %mul3A_316 = arith.muli %shift_right_arithmetic3A_314, %mul3A_315 : i32
      %multiple_of3A_317 = tpu.assume_multiple %mul3A_316, 128 : i32
      %dma_start3A_318 = arith.constant 0 : i32
      %dma_start3A_319 = arith.constant 0 : i32
      %dma_start3A_320 = arith.constant 0 : i32
      %dma_start3A_321 = tpu.memref_slice %arg11[%dma_start3A_318, %dma_start3A_319, %dma_start3A_320] : memref<4x32x128xf32, #tpu.memory_space<vmem>> -> memref<1x32x128xf32, #tpu.memory_space<vmem>>
      %dma_start3A_322 = tpu.memref_squeeze %dma_start3A_321 : memref<1x32x128xf32, #tpu.memory_space<vmem>> -> memref<32x128xf32, #tpu.memory_space<vmem>>
      %dma_start3A_323 = arith.constant 0 : i32
      %dma_start3A_324 = tpu.memref_slice %arg4[%dma_start3A_323, %multiple_of3A_310] : memref<32x1000000xf32, #tpu.memory_space<hbm>> -> memref<32x128xf32, #tpu.memory_space<hbm>>
      %dma_start3A_325 = arith.constant 0 : i32
      %dma_start3A_326 = arith.constant 0 : i32
      %dma_start3A_327 = tpu.memref_slice %arg11[%dma_start3A_318, %dma_start3A_325, %dma_start3A_326] : memref<4x32x128xf32, #tpu.memory_space<vmem>> -> memref<1x32x128xf32, #tpu.memory_space<vmem>>
      %dma_start3A_328 = tpu.memref_squeeze %dma_start3A_327 : memref<1x32x128xf32, #tpu.memory_space<vmem>> -> memref<32x128xf32, #tpu.memory_space<vmem>>
      %dma_start3A_329 = arith.constant 0 : i32
      %dma_start3A_330 = tpu.memref_slice %arg4[%dma_start3A_329, %multiple_of3A_310] : memref<32x1000000xf32, #tpu.memory_space<hbm>> -> memref<32x128xf32, #tpu.memory_space<hbm>>
      tpu.enqueue_dma source(%dma_start3A_330 : memref<32x128xf32, #tpu.memory_space<hbm>>) target(%dma_start3A_328 : memref<32x128xf32, #tpu.memory_space<vmem>>) target_semaphore(%arg15 : memref<!tpu.dma_semaphore, #tpu.memory_space<semaphore_mem>>)
      %dma_start3A_331 = arith.constant 0 : i32
      %dma_start3A_332 = arith.constant 0 : i32
      %dma_start3A_333 = arith.constant 0 : i32
      %dma_start3A_334 = tpu.memref_slice %arg12[%dma_start3A_331, %dma_start3A_332, %dma_start3A_333] : memref<4x32x128xf32, #tpu.memory_space<vmem>> -> memref<1x32x128xf32, #tpu.memory_space<vmem>>
      %dma_start3A_335 = tpu.memref_squeeze %dma_start3A_334 : memref<1x32x128xf32, #tpu.memory_space<vmem>> -> memref<32x128xf32, #tpu.memory_space<vmem>>
      %dma_start3A_336 = arith.constant 0 : i32
      %dma_start3A_337 = tpu.memref_slice %arg5[%dma_start3A_336, %multiple_of3A_317] : memref<32x1000000xf32, #tpu.memory_space<hbm>> -> memref<32x128xf32, #tpu.memory_space<hbm>>
      %dma_start3A_338 = arith.constant 0 : i32
      %dma_start3A_339 = arith.constant 0 : i32
      %dma_start3A_340 = tpu.memref_slice %arg12[%dma_start3A_331, %dma_start3A_338, %dma_start3A_339] : memref<4x32x128xf32, #tpu.memory_space<vmem>> -> memref<1x32x128xf32, #tpu.memory_space<vmem>>
      %dma_start3A_341 = tpu.memref_squeeze %dma_start3A_340 : memref<1x32x128xf32, #tpu.memory_space<vmem>> -> memref<32x128xf32, #tpu.memory_space<vmem>>
      %dma_start3A_342 = arith.constant 0 : i32
      %dma_start3A_343 = tpu.memref_slice %arg5[%dma_start3A_342, %multiple_of3A_317] : memref<32x1000000xf32, #tpu.memory_space<hbm>> -> memref<32x128xf32, #tpu.memory_space<hbm>>
      tpu.enqueue_dma source(%dma_start3A_343 : memref<32x128xf32, #tpu.memory_space<hbm>>) target(%dma_start3A_341 : memref<32x128xf32, #tpu.memory_space<vmem>>) target_semaphore(%arg15 : memref<!tpu.dma_semaphore, #tpu.memory_space<semaphore_mem>>)
      %slice3A_344 = vector.extract_strided_slice %get3A_299 {offsets = [1], sizes = [1], strides = [1]} : vector<16xi32> to vector<1xi32>
      %squeeze3A_345 = vector.extract %slice3A_344[0] : i32 from vector<1xi32>
      %shift_right_arithmetic3A_346 = arith.constant 7 : i32
      %shift_right_arithmetic3A_347 = arith.shrsi %squeeze3A_345, %shift_right_arithmetic3A_346 : i32
      %mul3A_348 = arith.constant 128 : i32
      %mul3A_349 = arith.muli %shift_right_arithmetic3A_347, %mul3A_348 : i32
      %multiple_of3A_350 = tpu.assume_multiple %mul3A_349, 128 : i32
      %slice3A_351 = vector.extract_strided_slice %get3A_303 {offsets = [1], sizes = [1], strides = [1]} : vector<16xi32> to vector<1xi32>
      %squeeze3A_352 = vector.extract %slice3A_351[0] : i32 from vector<1xi32>
      %shift_right_arithmetic3A_353 = arith.constant 7 : i32
      %shift_right_arithmetic3A_354 = arith.shrsi %squeeze3A_352, %shift_right_arithmetic3A_353 : i32
      %mul3A_355 = arith.constant 128 : i32
      %mul3A_356 = arith.muli %shift_right_arithmetic3A_354, %mul3A_355 : i32
      %multiple_of3A_357 = tpu.assume_multiple %mul3A_356, 128 : i32
      %dma_start3A_358 = arith.constant 1 : i32
      %dma_start3A_359 = arith.constant 0 : i32
      %dma_start3A_360 = arith.constant 0 : i32
      %dma_start3A_361 = tpu.memref_slice %arg11[%dma_start3A_358, %dma_start3A_359, %dma_start3A_360] : memref<4x32x128xf32, #tpu.memory_space<vmem>> -> memref<1x32x128xf32, #tpu.memory_space<vmem>>
      %dma_start3A_362 = tpu.memref_squeeze %dma_start3A_361 : memref<1x32x128xf32, #tpu.memory_space<vmem>> -> memref<32x128xf32, #tpu.memory_space<vmem>>
      %dma_start3A_363 = arith.constant 0 : i32
      %dma_start3A_364 = tpu.memref_slice %arg4[%dma_start3A_363, %multiple_of3A_350] : memref<32x1000000xf32, #tpu.memory_space<hbm>> -> memref<32x128xf32, #tpu.memory_space<hbm>>
      %dma_start3A_365 = arith.constant 0 : i32
      %dma_start3A_366 = arith.constant 0 : i32
      %dma_start3A_367 = tpu.memref_slice %arg11[%dma_start3A_358, %dma_start3A_365, %dma_start3A_366] : memref<4x32x128xf32, #tpu.memory_space<vmem>> -> memref<1x32x128xf32, #tpu.memory_space<vmem>>
      %dma_start3A_368 = tpu.memref_squeeze %dma_start3A_367 : memref<1x32x128xf32, #tpu.memory_space<vmem>> -> memref<32x128xf32, #tpu.memory_space<vmem>>
      %dma_start3A_369 = arith.constant 0 : i32
      %dma_start3A_370 = tpu.memref_slice %arg4[%dma_start3A_369, %multiple_of3A_350] : memref<32x1000000xf32, #tpu.memory_space<hbm>> -> memref<32x128xf32, #tpu.memory_space<hbm>>
      tpu.enqueue_dma source(%dma_start3A_370 : memref<32x128xf32, #tpu.memory_space<hbm>>) target(%dma_start3A_368 : memref<32x128xf32, #tpu.memory_space<vmem>>) target_semaphore(%arg15 : memref<!tpu.dma_semaphore, #tpu.memory_space<semaphore_mem>>)
      %dma_start3A_371 = arith.constant 1 : i32
      %dma_start3A_372 = arith.constant 0 : i32
      %dma_start3A_373 = arith.constant 0 : i32
      %dma_start3A_374 = tpu.memref_slice %arg12[%dma_start3A_371, %dma_start3A_372, %dma_start3A_373] : memref<4x32x128xf32, #tpu.memory_space<vmem>> -> memref<1x32x128xf32, #tpu.memory_space<vmem>>
      %dma_start3A_375 = tpu.memref_squeeze %dma_start3A_374 : memref<1x32x128xf32, #tpu.memory_space<vmem>> -> memref<32x128xf32, #tpu.memory_space<vmem>>
      %dma_start3A_376 = arith.constant 0 : i32
      %dma_start3A_377 = tpu.memref_slice %arg5[%dma_start3A_376, %multiple_of3A_357] : memref<32x1000000xf32, #tpu.memory_space<hbm>> -> memref<32x128xf32, #tpu.memory_space<hbm>>
      %dma_start3A_378 = arith.constant 0 : i32
      %dma_start3A_379 = arith.constant 0 : i32
      %dma_start3A_380 = tpu.memref_slice %arg12[%dma_start3A_371, %dma_start3A_378, %dma_start3A_379] : memref<4x32x128xf32, #tpu.memory_space<vmem>> -> memref<1x32x128xf32, #tpu.memory_space<vmem>>
      %dma_start3A_381 = tpu.memref_squeeze %dma_start3A_380 : memref<1x32x128xf32, #tpu.memory_space<vmem>> -> memref<32x128xf32, #tpu.memory_space<vmem>>
      %dma_start3A_382 = arith.constant 0 : i32
      %dma_start3A_383 = tpu.memref_slice %arg5[%dma_start3A_382, %multiple_of3A_357] : memref<32x1000000xf32, #tpu.memory_space<hbm>> -> memref<32x128xf32, #tpu.memory_space<hbm>>
      tpu.enqueue_dma source(%dma_start3A_383 : memref<32x128xf32, #tpu.memory_space<hbm>>) target(%dma_start3A_381 : memref<32x128xf32, #tpu.memory_space<vmem>>) target_semaphore(%arg15 : memref<!tpu.dma_semaphore, #tpu.memory_space<semaphore_mem>>)
      %slice3A_384 = vector.extract_strided_slice %get3A_299 {offsets = [2], sizes = [1], strides = [1]} : vector<16xi32> to vector<1xi32>
      %squeeze3A_385 = vector.extract %slice3A_384[0] : i32 from vector<1xi32>
      %shift_right_arithmetic3A_386 = arith.constant 7 : i32
      %shift_right_arithmetic3A_387 = arith.shrsi %squeeze3A_385, %shift_right_arithmetic3A_386 : i32
      %mul3A_388 = arith.constant 128 : i32
      %mul3A_389 = arith.muli %shift_right_arithmetic3A_387, %mul3A_388 : i32
      %multiple_of3A_390 = tpu.assume_multiple %mul3A_389, 128 : i32
      %slice3A_391 = vector.extract_strided_slice %get3A_303 {offsets = [2], sizes = [1], strides = [1]} : vector<16xi32> to vector<1xi32>
      %squeeze3A_392 = vector.extract %slice3A_391[0] : i32 from vector<1xi32>
      %shift_right_arithmetic3A_393 = arith.constant 7 : i32
      %shift_right_arithmetic3A_394 = arith.shrsi %squeeze3A_392, %shift_right_arithmetic3A_393 : i32
      %mul3A_395 = arith.constant 128 : i32
      %mul3A_396 = arith.muli %shift_right_arithmetic3A_394, %mul3A_395 : i32
      %multiple_of3A_397 = tpu.assume_multiple %mul3A_396, 128 : i32
      %dma_start3A_398 = arith.constant 2 : i32
      %dma_start3A_399 = arith.constant 0 : i32
      %dma_start3A_400 = arith.constant 0 : i32
      %dma_start3A_401 = tpu.memref_slice %arg11[%dma_start3A_398, %dma_start3A_399, %dma_start3A_400] : memref<4x32x128xf32, #tpu.memory_space<vmem>> -> memref<1x32x128xf32, #tpu.memory_space<vmem>>
      %dma_start3A_402 = tpu.memref_squeeze %dma_start3A_401 : memref<1x32x128xf32, #tpu.memory_space<vmem>> -> memref<32x128xf32, #tpu.memory_space<vmem>>
      %dma_start3A_403 = arith.constant 0 : i32
      %dma_start3A_404 = tpu.memref_slice %arg4[%dma_start3A_403, %multiple_of3A_390] : memref<32x1000000xf32, #tpu.memory_space<hbm>> -> memref<32x128xf32, #tpu.memory_space<hbm>>
      %dma_start3A_405 = arith.constant 0 : i32
      %dma_start3A_406 = arith.constant 0 : i32
      %dma_start3A_407 = tpu.memref_slice %arg11[%dma_start3A_398, %dma_start3A_405, %dma_start3A_406] : memref<4x32x128xf32, #tpu.memory_space<vmem>> -> memref<1x32x128xf32, #tpu.memory_space<vmem>>
      %dma_start3A_408 = tpu.memref_squeeze %dma_start3A_407 : memref<1x32x128xf32, #tpu.memory_space<vmem>> -> memref<32x128xf32, #tpu.memory_space<vmem>>
      %dma_start3A_409 = arith.constant 0 : i32
      %dma_start3A_410 = tpu.memref_slice %arg4[%dma_start3A_409, %multiple_of3A_390] : memref<32x1000000xf32, #tpu.memory_space<hbm>> -> memref<32x128xf32, #tpu.memory_space<hbm>>
      tpu.enqueue_dma source(%dma_start3A_410 : memref<32x128xf32, #tpu.memory_space<hbm>>) target(%dma_start3A_408 : memref<32x128xf32, #tpu.memory_space<vmem>>) target_semaphore(%arg15 : memref<!tpu.dma_semaphore, #tpu.memory_space<semaphore_mem>>)
      %dma_start3A_411 = arith.constant 2 : i32
      %dma_start3A_412 = arith.constant 0 : i32
      %dma_start3A_413 = arith.constant 0 : i32
      %dma_start3A_414 = tpu.memref_slice %arg12[%dma_start3A_411, %dma_start3A_412, %dma_start3A_413] : memref<4x32x128xf32, #tpu.memory_space<vmem>> -> memref<1x32x128xf32, #tpu.memory_space<vmem>>
      %dma_start3A_415 = tpu.memref_squeeze %dma_start3A_414 : memref<1x32x128xf32, #tpu.memory_space<vmem>> -> memref<32x128xf32, #tpu.memory_space<vmem>>
      %dma_start3A_416 = arith.constant 0 : i32
      %dma_start3A_417 = tpu.memref_slice %arg5[%dma_start3A_416, %multiple_of3A_397] : memref<32x1000000xf32, #tpu.memory_space<hbm>> -> memref<32x128xf32, #tpu.memory_space<hbm>>
      %dma_start3A_418 = arith.constant 0 : i32
      %dma_start3A_419 = arith.constant 0 : i32
      %dma_start3A_420 = tpu.memref_slice %arg12[%dma_start3A_411, %dma_start3A_418, %dma_start3A_419] : memref<4x32x128xf32, #tpu.memory_space<vmem>> -> memref<1x32x128xf32, #tpu.memory_space<vmem>>
      %dma_start3A_421 = tpu.memref_squeeze %dma_start3A_420 : memref<1x32x128xf32, #tpu.memory_space<vmem>> -> memref<32x128xf32, #tpu.memory_space<vmem>>
      %dma_start3A_422 = arith.constant 0 : i32
      %dma_start3A_423 = tpu.memref_slice %arg5[%dma_start3A_422, %multiple_of3A_397] : memref<32x1000000xf32, #tpu.memory_space<hbm>> -> memref<32x128xf32, #tpu.memory_space<hbm>>
      tpu.enqueue_dma source(%dma_start3A_423 : memref<32x128xf32, #tpu.memory_space<hbm>>) target(%dma_start3A_421 : memref<32x128xf32, #tpu.memory_space<vmem>>) target_semaphore(%arg15 : memref<!tpu.dma_semaphore, #tpu.memory_space<semaphore_mem>>)
      %slice3A_424 = vector.extract_strided_slice %get3A_299 {offsets = [3], sizes = [1], strides = [1]} : vector<16xi32> to vector<1xi32>
      %squeeze3A_425 = vector.extract %slice3A_424[0] : i32 from vector<1xi32>
      %shift_right_arithmetic3A_426 = arith.constant 7 : i32
      %shift_right_arithmetic3A_427 = arith.shrsi %squeeze3A_425, %shift_right_arithmetic3A_426 : i32
      %mul3A_428 = arith.constant 128 : i32
      %mul3A_429 = arith.muli %shift_right_arithmetic3A_427, %mul3A_428 : i32
      %multiple_of3A_430 = tpu.assume_multiple %mul3A_429, 128 : i32
      %slice3A_431 = vector.extract_strided_slice %get3A_303 {offsets = [3], sizes = [1], strides = [1]} : vector<16xi32> to vector<1xi32>
      %squeeze3A_432 = vector.extract %slice3A_431[0] : i32 from vector<1xi32>
      %shift_right_arithmetic3A_433 = arith.constant 7 : i32
      %shift_right_arithmetic3A_434 = arith.shrsi %squeeze3A_432, %shift_right_arithmetic3A_433 : i32
      %mul3A_435 = arith.constant 128 : i32
      %mul3A_436 = arith.muli %shift_right_arithmetic3A_434, %mul3A_435 : i32
      %multiple_of3A_437 = tpu.assume_multiple %mul3A_436, 128 : i32
      %dma_start3A_438 = arith.constant 3 : i32
      %dma_start3A_439 = arith.constant 0 : i32
      %dma_start3A_440 = arith.constant 0 : i32
      %dma_start3A_441 = tpu.memref_slice %arg11[%dma_start3A_438, %dma_start3A_439, %dma_start3A_440] : memref<4x32x128xf32, #tpu.memory_space<vmem>> -> memref<1x32x128xf32, #tpu.memory_space<vmem>>
      %dma_start3A_442 = tpu.memref_squeeze %dma_start3A_441 : memref<1x32x128xf32, #tpu.memory_space<vmem>> -> memref<32x128xf32, #tpu.memory_space<vmem>>
      %dma_start3A_443 = arith.constant 0 : i32
      %dma_start3A_444 = tpu.memref_slice %arg4[%dma_start3A_443, %multiple_of3A_430] : memref<32x1000000xf32, #tpu.memory_space<hbm>> -> memref<32x128xf32, #tpu.memory_space<hbm>>
      %dma_start3A_445 = arith.constant 0 : i32
      %dma_start3A_446 = arith.constant 0 : i32
      %dma_start3A_447 = tpu.memref_slice %arg11[%dma_start3A_438, %dma_start3A_445, %dma_start3A_446] : memref<4x32x128xf32, #tpu.memory_space<vmem>> -> memref<1x32x128xf32, #tpu.memory_space<vmem>>
      %dma_start3A_448 = tpu.memref_squeeze %dma_start3A_447 : memref<1x32x128xf32, #tpu.memory_space<vmem>> -> memref<32x128xf32, #tpu.memory_space<vmem>>
      %dma_start3A_449 = arith.constant 0 : i32
      %dma_start3A_450 = tpu.memref_slice %arg4[%dma_start3A_449, %multiple_of3A_430] : memref<32x1000000xf32, #tpu.memory_space<hbm>> -> memref<32x128xf32, #tpu.memory_space<hbm>>
      tpu.enqueue_dma source(%dma_start3A_450 : memref<32x128xf32, #tpu.memory_space<hbm>>) target(%dma_start3A_448 : memref<32x128xf32, #tpu.memory_space<vmem>>) target_semaphore(%arg15 : memref<!tpu.dma_semaphore, #tpu.memory_space<semaphore_mem>>)
      %dma_start3A_451 = arith.constant 3 : i32
      %dma_start3A_452 = arith.constant 0 : i32
      %dma_start3A_453 = arith.constant 0 : i32
      %dma_start3A_454 = tpu.memref_slice %arg12[%dma_start3A_451, %dma_start3A_452, %dma_start3A_453] : memref<4x32x128xf32, #tpu.memory_space<vmem>> -> memref<1x32x128xf32, #tpu.memory_space<vmem>>
      %dma_start3A_455 = tpu.memref_squeeze %dma_start3A_454 : memref<1x32x128xf32, #tpu.memory_space<vmem>> -> memref<32x128xf32, #tpu.memory_space<vmem>>
      %dma_start3A_456 = arith.constant 0 : i32
      %dma_start3A_457 = tpu.memref_slice %arg5[%dma_start3A_456, %multiple_of3A_437] : memref<32x1000000xf32, #tpu.memory_space<hbm>> -> memref<32x128xf32, #tpu.memory_space<hbm>>
      %dma_start3A_458 = arith.constant 0 : i32
      %dma_start3A_459 = arith.constant 0 : i32
      %dma_start3A_460 = tpu.memref_slice %arg12[%dma_start3A_451, %dma_start3A_458, %dma_start3A_459] : memref<4x32x128xf32, #tpu.memory_space<vmem>> -> memref<1x32x128xf32, #tpu.memory_space<vmem>>
      %dma_start3A_461 = tpu.memref_squeeze %dma_start3A_460 : memref<1x32x128xf32, #tpu.memory_space<vmem>> -> memref<32x128xf32, #tpu.memory_space<vmem>>
      %dma_start3A_462 = arith.constant 0 : i32
      %dma_start3A_463 = tpu.memref_slice %arg5[%dma_start3A_462, %multiple_of3A_437] : memref<32x1000000xf32, #tpu.memory_space<hbm>> -> memref<32x128xf32, #tpu.memory_space<hbm>>
      tpu.enqueue_dma source(%dma_start3A_463 : memref<32x128xf32, #tpu.memory_space<hbm>>) target(%dma_start3A_461 : memref<32x128xf32, #tpu.memory_space<vmem>>) target_semaphore(%arg15 : memref<!tpu.dma_semaphore, #tpu.memory_space<semaphore_mem>>)
      %dma_wait3A_464 = arith.constant 0 : i32
      %dma_wait3A_465 = arith.constant 0 : i32
      %dma_wait3A_466 = arith.constant 0 : i32
      %dma_wait3A_467 = tpu.memref_slice %arg9[%dma_wait3A_464, %dma_wait3A_465, %dma_wait3A_466] : memref<4x32x128xf32, #tpu.memory_space<vmem>> -> memref<1x32x128xf32, #tpu.memory_space<vmem>>
      %dma_wait3A_468 = tpu.memref_squeeze %dma_wait3A_467 : memref<1x32x128xf32, #tpu.memory_space<vmem>> -> memref<32x128xf32, #tpu.memory_space<vmem>>
      %dma_wait3A_469 = arith.constant 0 : i32
      %dma_wait3A_470 = arith.constant 0 : i32
      %dma_wait3A_471 = tpu.memref_slice %arg4[%dma_wait3A_469, %dma_wait3A_470] : memref<32x1000000xf32, #tpu.memory_space<hbm>> -> memref<32x128xf32, #tpu.memory_space<hbm>>
      %dma_wait3A_472 = arith.constant 0 : i32
      %dma_wait3A_473 = arith.constant 0 : i32
      %dma_wait3A_474 = tpu.memref_slice %arg9[%dma_wait3A_464, %dma_wait3A_472, %dma_wait3A_473] : memref<4x32x128xf32, #tpu.memory_space<vmem>> -> memref<1x32x128xf32, #tpu.memory_space<vmem>>
      %dma_wait3A_475 = tpu.memref_squeeze %dma_wait3A_474 : memref<1x32x128xf32, #tpu.memory_space<vmem>> -> memref<32x128xf32, #tpu.memory_space<vmem>>
      %dma_wait3A_476 = arith.constant 0 : i32
      %dma_wait3A_477 = arith.constant 0 : i32
      %dma_wait3A_478 = tpu.memref_slice %arg4[%dma_wait3A_476, %dma_wait3A_477] : memref<32x1000000xf32, #tpu.memory_space<hbm>> -> memref<32x128xf32, #tpu.memory_space<hbm>>
      tpu.wait_dma2 semaphore(%arg14 : memref<!tpu.dma_semaphore, #tpu.memory_space<semaphore_mem>>) src(%dma_wait3A_478 : memref<32x128xf32, #tpu.memory_space<hbm>>) dst(%dma_wait3A_475 : memref<32x128xf32, #tpu.memory_space<vmem>>)
      %dma_wait3A_479 = arith.constant 0 : i32
      %dma_wait3A_480 = arith.constant 0 : i32
      %dma_wait3A_481 = arith.constant 0 : i32
      %dma_wait3A_482 = tpu.memref_slice %arg10[%dma_wait3A_479, %dma_wait3A_480, %dma_wait3A_481] : memref<4x32x128xf32, #tpu.memory_space<vmem>> -> memref<1x32x128xf32, #tpu.memory_space<vmem>>
      %dma_wait3A_483 = tpu.memref_squeeze %dma_wait3A_482 : memref<1x32x128xf32, #tpu.memory_space<vmem>> -> memref<32x128xf32, #tpu.memory_space<vmem>>
      %dma_wait3A_484 = arith.constant 0 : i32
      %dma_wait3A_485 = arith.constant 0 : i32
      %dma_wait3A_486 = tpu.memref_slice %arg5[%dma_wait3A_484, %dma_wait3A_485] : memref<32x1000000xf32, #tpu.memory_space<hbm>> -> memref<32x128xf32, #tpu.memory_space<hbm>>
      %dma_wait3A_487 = arith.constant 0 : i32
      %dma_wait3A_488 = arith.constant 0 : i32
      %dma_wait3A_489 = tpu.memref_slice %arg10[%dma_wait3A_479, %dma_wait3A_487, %dma_wait3A_488] : memref<4x32x128xf32, #tpu.memory_space<vmem>> -> memref<1x32x128xf32, #tpu.memory_space<vmem>>
      %dma_wait3A_490 = tpu.memref_squeeze %dma_wait3A_489 : memref<1x32x128xf32, #tpu.memory_space<vmem>> -> memref<32x128xf32, #tpu.memory_space<vmem>>
      %dma_wait3A_491 = arith.constant 0 : i32
      %dma_wait3A_492 = arith.constant 0 : i32
      %dma_wait3A_493 = tpu.memref_slice %arg5[%dma_wait3A_491, %dma_wait3A_492] : memref<32x1000000xf32, #tpu.memory_space<hbm>> -> memref<32x128xf32, #tpu.memory_space<hbm>>
      tpu.wait_dma2 semaphore(%arg14 : memref<!tpu.dma_semaphore, #tpu.memory_space<semaphore_mem>>) src(%dma_wait3A_493 : memref<32x128xf32, #tpu.memory_space<hbm>>) dst(%dma_wait3A_490 : memref<32x128xf32, #tpu.memory_space<vmem>>)
      %dma_wait3A_494 = arith.constant 1 : i32
      %dma_wait3A_495 = arith.constant 0 : i32
      %dma_wait3A_496 = arith.constant 0 : i32
      %dma_wait3A_497 = tpu.memref_slice %arg9[%dma_wait3A_494, %dma_wait3A_495, %dma_wait3A_496] : memref<4x32x128xf32, #tpu.memory_space<vmem>> -> memref<1x32x128xf32, #tpu.memory_space<vmem>>
      %dma_wait3A_498 = tpu.memref_squeeze %dma_wait3A_497 : memref<1x32x128xf32, #tpu.memory_space<vmem>> -> memref<32x128xf32, #tpu.memory_space<vmem>>
      %dma_wait3A_499 = arith.constant 0 : i32
      %dma_wait3A_500 = arith.constant 0 : i32
      %dma_wait3A_501 = tpu.memref_slice %arg4[%dma_wait3A_499, %dma_wait3A_500] : memref<32x1000000xf32, #tpu.memory_space<hbm>> -> memref<32x128xf32, #tpu.memory_space<hbm>>
      %dma_wait3A_502 = arith.constant 0 : i32
      %dma_wait3A_503 = arith.constant 0 : i32
      %dma_wait3A_504 = tpu.memref_slice %arg9[%dma_wait3A_494, %dma_wait3A_502, %dma_wait3A_503] : memref<4x32x128xf32, #tpu.memory_space<vmem>> -> memref<1x32x128xf32, #tpu.memory_space<vmem>>
      %dma_wait3A_505 = tpu.memref_squeeze %dma_wait3A_504 : memref<1x32x128xf32, #tpu.memory_space<vmem>> -> memref<32x128xf32, #tpu.memory_space<vmem>>
      %dma_wait3A_506 = arith.constant 0 : i32
      %dma_wait3A_507 = arith.constant 0 : i32
      %dma_wait3A_508 = tpu.memref_slice %arg4[%dma_wait3A_506, %dma_wait3A_507] : memref<32x1000000xf32, #tpu.memory_space<hbm>> -> memref<32x128xf32, #tpu.memory_space<hbm>>
      tpu.wait_dma2 semaphore(%arg14 : memref<!tpu.dma_semaphore, #tpu.memory_space<semaphore_mem>>) src(%dma_wait3A_508 : memref<32x128xf32, #tpu.memory_space<hbm>>) dst(%dma_wait3A_505 : memref<32x128xf32, #tpu.memory_space<vmem>>)
      %dma_wait3A_509 = arith.constant 1 : i32
      %dma_wait3A_510 = arith.constant 0 : i32
      %dma_wait3A_511 = arith.constant 0 : i32
      %dma_wait3A_512 = tpu.memref_slice %arg10[%dma_wait3A_509, %dma_wait3A_510, %dma_wait3A_511] : memref<4x32x128xf32, #tpu.memory_space<vmem>> -> memref<1x32x128xf32, #tpu.memory_space<vmem>>
      %dma_wait3A_513 = tpu.memref_squeeze %dma_wait3A_512 : memref<1x32x128xf32, #tpu.memory_space<vmem>> -> memref<32x128xf32, #tpu.memory_space<vmem>>
      %dma_wait3A_514 = arith.constant 0 : i32
      %dma_wait3A_515 = arith.constant 0 : i32
      %dma_wait3A_516 = tpu.memref_slice %arg5[%dma_wait3A_514, %dma_wait3A_515] : memref<32x1000000xf32, #tpu.memory_space<hbm>> -> memref<32x128xf32, #tpu.memory_space<hbm>>
      %dma_wait3A_517 = arith.constant 0 : i32
      %dma_wait3A_518 = arith.constant 0 : i32
      %dma_wait3A_519 = tpu.memref_slice %arg10[%dma_wait3A_509, %dma_wait3A_517, %dma_wait3A_518] : memref<4x32x128xf32, #tpu.memory_space<vmem>> -> memref<1x32x128xf32, #tpu.memory_space<vmem>>
      %dma_wait3A_520 = tpu.memref_squeeze %dma_wait3A_519 : memref<1x32x128xf32, #tpu.memory_space<vmem>> -> memref<32x128xf32, #tpu.memory_space<vmem>>
      %dma_wait3A_521 = arith.constant 0 : i32
      %dma_wait3A_522 = arith.constant 0 : i32
      %dma_wait3A_523 = tpu.memref_slice %arg5[%dma_wait3A_521, %dma_wait3A_522] : memref<32x1000000xf32, #tpu.memory_space<hbm>> -> memref<32x128xf32, #tpu.memory_space<hbm>>
      tpu.wait_dma2 semaphore(%arg14 : memref<!tpu.dma_semaphore, #tpu.memory_space<semaphore_mem>>) src(%dma_wait3A_523 : memref<32x128xf32, #tpu.memory_space<hbm>>) dst(%dma_wait3A_520 : memref<32x128xf32, #tpu.memory_space<vmem>>)
      %dma_wait3A_524 = arith.constant 2 : i32
      %dma_wait3A_525 = arith.constant 0 : i32
      %dma_wait3A_526 = arith.constant 0 : i32
      %dma_wait3A_527 = tpu.memref_slice %arg9[%dma_wait3A_524, %dma_wait3A_525, %dma_wait3A_526] : memref<4x32x128xf32, #tpu.memory_space<vmem>> -> memref<1x32x128xf32, #tpu.memory_space<vmem>>
      %dma_wait3A_528 = tpu.memref_squeeze %dma_wait3A_527 : memref<1x32x128xf32, #tpu.memory_space<vmem>> -> memref<32x128xf32, #tpu.memory_space<vmem>>
      %dma_wait3A_529 = arith.constant 0 : i32
      %dma_wait3A_530 = arith.constant 0 : i32
      %dma_wait3A_531 = tpu.memref_slice %arg4[%dma_wait3A_529, %dma_wait3A_530] : memref<32x1000000xf32, #tpu.memory_space<hbm>> -> memref<32x128xf32, #tpu.memory_space<hbm>>
      %dma_wait3A_532 = arith.constant 0 : i32
      %dma_wait3A_533 = arith.constant 0 : i32
      %dma_wait3A_534 = tpu.memref_slice %arg9[%dma_wait3A_524, %dma_wait3A_532, %dma_wait3A_533] : memref<4x32x128xf32, #tpu.memory_space<vmem>> -> memref<1x32x128xf32, #tpu.memory_space<vmem>>
      %dma_wait3A_535 = tpu.memref_squeeze %dma_wait3A_534 : memref<1x32x128xf32, #tpu.memory_space<vmem>> -> memref<32x128xf32, #tpu.memory_space<vmem>>
      %dma_wait3A_536 = arith.constant 0 : i32
      %dma_wait3A_537 = arith.constant 0 : i32
      %dma_wait3A_538 = tpu.memref_slice %arg4[%dma_wait3A_536, %dma_wait3A_537] : memref<32x1000000xf32, #tpu.memory_space<hbm>> -> memref<32x128xf32, #tpu.memory_space<hbm>>
      tpu.wait_dma2 semaphore(%arg14 : memref<!tpu.dma_semaphore, #tpu.memory_space<semaphore_mem>>) src(%dma_wait3A_538 : memref<32x128xf32, #tpu.memory_space<hbm>>) dst(%dma_wait3A_535 : memref<32x128xf32, #tpu.memory_space<vmem>>)
      %dma_wait3A_539 = arith.constant 2 : i32
      %dma_wait3A_540 = arith.constant 0 : i32
      %dma_wait3A_541 = arith.constant 0 : i32
      %dma_wait3A_542 = tpu.memref_slice %arg10[%dma_wait3A_539, %dma_wait3A_540, %dma_wait3A_541] : memref<4x32x128xf32, #tpu.memory_space<vmem>> -> memref<1x32x128xf32, #tpu.memory_space<vmem>>
      %dma_wait3A_543 = tpu.memref_squeeze %dma_wait3A_542 : memref<1x32x128xf32, #tpu.memory_space<vmem>> -> memref<32x128xf32, #tpu.memory_space<vmem>>
      %dma_wait3A_544 = arith.constant 0 : i32
      %dma_wait3A_545 = arith.constant 0 : i32
      %dma_wait3A_546 = tpu.memref_slice %arg5[%dma_wait3A_544, %dma_wait3A_545] : memref<32x1000000xf32, #tpu.memory_space<hbm>> -> memref<32x128xf32, #tpu.memory_space<hbm>>
      %dma_wait3A_547 = arith.constant 0 : i32
      %dma_wait3A_548 = arith.constant 0 : i32
      %dma_wait3A_549 = tpu.memref_slice %arg10[%dma_wait3A_539, %dma_wait3A_547, %dma_wait3A_548] : memref<4x32x128xf32, #tpu.memory_space<vmem>> -> memref<1x32x128xf32, #tpu.memory_space<vmem>>
      %dma_wait3A_550 = tpu.memref_squeeze %dma_wait3A_549 : memref<1x32x128xf32, #tpu.memory_space<vmem>> -> memref<32x128xf32, #tpu.memory_space<vmem>>
      %dma_wait3A_551 = arith.constant 0 : i32
      %dma_wait3A_552 = arith.constant 0 : i32
      %dma_wait3A_553 = tpu.memref_slice %arg5[%dma_wait3A_551, %dma_wait3A_552] : memref<32x1000000xf32, #tpu.memory_space<hbm>> -> memref<32x128xf32, #tpu.memory_space<hbm>>
      tpu.wait_dma2 semaphore(%arg14 : memref<!tpu.dma_semaphore, #tpu.memory_space<semaphore_mem>>) src(%dma_wait3A_553 : memref<32x128xf32, #tpu.memory_space<hbm>>) dst(%dma_wait3A_550 : memref<32x128xf32, #tpu.memory_space<vmem>>)
      %dma_wait3A_554 = arith.constant 3 : i32
      %dma_wait3A_555 = arith.constant 0 : i32
      %dma_wait3A_556 = arith.constant 0 : i32
      %dma_wait3A_557 = tpu.memref_slice %arg9[%dma_wait3A_554, %dma_wait3A_555, %dma_wait3A_556] : memref<4x32x128xf32, #tpu.memory_space<vmem>> -> memref<1x32x128xf32, #tpu.memory_space<vmem>>
      %dma_wait3A_558 = tpu.memref_squeeze %dma_wait3A_557 : memref<1x32x128xf32, #tpu.memory_space<vmem>> -> memref<32x128xf32, #tpu.memory_space<vmem>>
      %dma_wait3A_559 = arith.constant 0 : i32
      %dma_wait3A_560 = arith.constant 0 : i32
      %dma_wait3A_561 = tpu.memref_slice %arg4[%dma_wait3A_559, %dma_wait3A_560] : memref<32x1000000xf32, #tpu.memory_space<hbm>> -> memref<32x128xf32, #tpu.memory_space<hbm>>
      %dma_wait3A_562 = arith.constant 0 : i32
      %dma_wait3A_563 = arith.constant 0 : i32
      %dma_wait3A_564 = tpu.memref_slice %arg9[%dma_wait3A_554, %dma_wait3A_562, %dma_wait3A_563] : memref<4x32x128xf32, #tpu.memory_space<vmem>> -> memref<1x32x128xf32, #tpu.memory_space<vmem>>
      %dma_wait3A_565 = tpu.memref_squeeze %dma_wait3A_564 : memref<1x32x128xf32, #tpu.memory_space<vmem>> -> memref<32x128xf32, #tpu.memory_space<vmem>>
      %dma_wait3A_566 = arith.constant 0 : i32
      %dma_wait3A_567 = arith.constant 0 : i32
      %dma_wait3A_568 = tpu.memref_slice %arg4[%dma_wait3A_566, %dma_wait3A_567] : memref<32x1000000xf32, #tpu.memory_space<hbm>> -> memref<32x128xf32, #tpu.memory_space<hbm>>
      tpu.wait_dma2 semaphore(%arg14 : memref<!tpu.dma_semaphore, #tpu.memory_space<semaphore_mem>>) src(%dma_wait3A_568 : memref<32x128xf32, #tpu.memory_space<hbm>>) dst(%dma_wait3A_565 : memref<32x128xf32, #tpu.memory_space<vmem>>)
      %dma_wait3A_569 = arith.constant 3 : i32
      %dma_wait3A_570 = arith.constant 0 : i32
      %dma_wait3A_571 = arith.constant 0 : i32
      %dma_wait3A_572 = tpu.memref_slice %arg10[%dma_wait3A_569, %dma_wait3A_570, %dma_wait3A_571] : memref<4x32x128xf32, #tpu.memory_space<vmem>> -> memref<1x32x128xf32, #tpu.memory_space<vmem>>
      %dma_wait3A_573 = tpu.memref_squeeze %dma_wait3A_572 : memref<1x32x128xf32, #tpu.memory_space<vmem>> -> memref<32x128xf32, #tpu.memory_space<vmem>>
      %dma_wait3A_574 = arith.constant 0 : i32
      %dma_wait3A_575 = arith.constant 0 : i32
      %dma_wait3A_576 = tpu.memref_slice %arg5[%dma_wait3A_574, %dma_wait3A_575] : memref<32x1000000xf32, #tpu.memory_space<hbm>> -> memref<32x128xf32, #tpu.memory_space<hbm>>
      %dma_wait3A_577 = arith.constant 0 : i32
      %dma_wait3A_578 = arith.constant 0 : i32
      %dma_wait3A_579 = tpu.memref_slice %arg10[%dma_wait3A_569, %dma_wait3A_577, %dma_wait3A_578] : memref<4x32x128xf32, #tpu.memory_space<vmem>> -> memref<1x32x128xf32, #tpu.memory_space<vmem>>
      %dma_wait3A_580 = tpu.memref_squeeze %dma_wait3A_579 : memref<1x32x128xf32, #tpu.memory_space<vmem>> -> memref<32x128xf32, #tpu.memory_space<vmem>>
      %dma_wait3A_581 = arith.constant 0 : i32
      %dma_wait3A_582 = arith.constant 0 : i32
      %dma_wait3A_583 = tpu.memref_slice %arg5[%dma_wait3A_581, %dma_wait3A_582] : memref<32x1000000xf32, #tpu.memory_space<hbm>> -> memref<32x128xf32, #tpu.memory_space<hbm>>
      tpu.wait_dma2 semaphore(%arg14 : memref<!tpu.dma_semaphore, #tpu.memory_space<semaphore_mem>>) src(%dma_wait3A_583 : memref<32x128xf32, #tpu.memory_space<hbm>>) dst(%dma_wait3A_580 : memref<32x128xf32, #tpu.memory_space<vmem>>)
      %mul3A_584 = arith.constant 4 : i32
      %mul3A_585 = arith.muli %mul3A_291, %mul3A_584 : i32
      %get3A_586 = arith.index_cast %mul3A_585 : i32 to index
      %get3A_587 = tpu.vector_load %arg7[%get3A_586] {strides = array<i32>} : memref<528xi32, #tpu.memory_space<vmem>>, vector<16xi32>,
      %mul3A_588 = arith.constant 4 : i32
      %mul3A_589 = arith.muli %mul3A_291, %mul3A_588 : i32
      %get3A_590 = arith.index_cast %mul3A_589 : i32 to index
      %get3A_591 = tpu.vector_load %arg8[%get3A_590] {strides = array<i32>} : memref<528xi32, #tpu.memory_space<vmem>>, vector<16xi32>,
      %and3A_592 = arith.constant 127 : i32
      %and3A_593 = vector.broadcast %and3A_592 : i32 to vector<16xi32>
      %and3A_594 = arith.andi %get3A_587, %and3A_593 : vector<16xi32>
      %and3A_595 = arith.constant 127 : i32
      %and3A_596 = vector.broadcast %and3A_595 : i32 to vector<16xi32>
      %and3A_597 = arith.andi %get3A_591, %and3A_596 : vector<16xi32>
      %broadcast_in_dim3A = arith.constant 0.000000e+00 : f32
      %broadcast_in_dim3A_598 = vector.broadcast %broadcast_in_dim3A : f32 to vector<16xf32>
      %broadcast_in_dim3A_599 = arith.constant 0 : i32
      %broadcast_in_dim3A_600 = vector.broadcast %broadcast_in_dim3A_599 : i32 to vector<16xi32>
      %gather3A = tpu.vector_load_idx %arg9[%and3A_4, %broadcast_in_dim3A_600, %and3A_594] : memref<4x32x128xf32, #tpu.memory_space<vmem>>[vector<16xi32>, vector<16xi32>, vector<16xi32>], vector<16xf32>,
      %gather3A_601 = tpu.vector_load_idx %arg10[%and3A_4, %broadcast_in_dim3A_600, %and3A_597] : memref<4x32x128xf32, #tpu.memory_space<vmem>>[vector<16xi32>, vector<16xi32>, vector<16xi32>], vector<16xf32>,
      %mul3A_602 = arith.mulf %gather3A, %gather3A_601 : vector<16xf32>
      %add3A_603 = arith.addf %broadcast_in_dim3A_598, %mul3A_602 : vector<16xf32>
      %broadcast_in_dim3A_604 = arith.constant 1 : i32
      %broadcast_in_dim3A_605 = vector.broadcast %broadcast_in_dim3A_604 : i32 to vector<16xi32>
      %gather3A_606 = tpu.vector_load_idx %arg9[%and3A_4, %broadcast_in_dim3A_605, %and3A_594] : memref<4x32x128xf32, #tpu.memory_space<vmem>>[vector<16xi32>, vector<16xi32>, vector<16xi32>], vector<16xf32>,
      %gather3A_607 = tpu.vector_load_idx %arg10[%and3A_4, %broadcast_in_dim3A_605, %and3A_597] : memref<4x32x128xf32, #tpu.memory_space<vmem>>[vector<16xi32>, vector<16xi32>, vector<16xi32>], vector<16xf32>,
      %mul3A_608 = arith.mulf %gather3A_606, %gather3A_607 : vector<16xf32>
      %add3A_609 = arith.addf %add3A_603, %mul3A_608 : vector<16xf32>
      %broadcast_in_dim3A_610 = arith.constant 2 : i32
      %broadcast_in_dim3A_611 = vector.broadcast %broadcast_in_dim3A_610 : i32 to vector<16xi32>
      %gather3A_612 = tpu.vector_load_idx %arg9[%and3A_4, %broadcast_in_dim3A_611, %and3A_594] : memref<4x32x128xf32, #tpu.memory_space<vmem>>[vector<16xi32>, vector<16xi32>, vector<16xi32>], vector<16xf32>,
      %gather3A_613 = tpu.vector_load_idx %arg10[%and3A_4, %broadcast_in_dim3A_611, %and3A_597] : memref<4x32x128xf32, #tpu.memory_space<vmem>>[vector<16xi32>, vector<16xi32>, vector<16xi32>], vector<16xf32>,
      %mul3A_614 = arith.mulf %gather3A_612, %gather3A_613 : vector<16xf32>
      %add3A_615 = arith.addf %add3A_609, %mul3A_614 : vector<16xf32>
      %broadcast_in_dim3A_616 = arith.constant 3 : i32
      %broadcast_in_dim3A_617 = vector.broadcast %broadcast_in_dim3A_616 : i32 to vector<16xi32>
      %gather3A_618 = tpu.vector_load_idx %arg9[%and3A_4, %broadcast_in_dim3A_617, %and3A_594] : memref<4x32x128xf32, #tpu.memory_space<vmem>>[vector<16xi32>, vector<16xi32>, vector<16xi32>], vector<16xf32>,
      %gather3A_619 = tpu.vector_load_idx %arg10[%and3A_4, %broadcast_in_dim3A_617, %and3A_597] : memref<4x32x128xf32, #tpu.memory_space<vmem>>[vector<16xi32>, vector<16xi32>, vector<16xi32>], vector<16xf32>,
      %mul3A_620 = arith.mulf %gather3A_618, %gather3A_619 : vector<16xf32>
      %add3A_621 = arith.addf %add3A_615, %mul3A_620 : vector<16xf32>
      %broadcast_in_dim3A_622 = arith.constant 4 : i32
      %broadcast_in_dim3A_623 = vector.broadcast %broadcast_in_dim3A_622 : i32 to vector<16xi32>
      %gather3A_624 = tpu.vector_load_idx %arg9[%and3A_4, %broadcast_in_dim3A_623, %and3A_594] : memref<4x32x128xf32, #tpu.memory_space<vmem>>[vector<16xi32>, vector<16xi32>, vector<16xi32>], vector<16xf32>,
      %gather3A_625 = tpu.vector_load_idx %arg10[%and3A_4, %broadcast_in_dim3A_623, %and3A_597] : memref<4x32x128xf32, #tpu.memory_space<vmem>>[vector<16xi32>, vector<16xi32>, vector<16xi32>], vector<16xf32>,
      %mul3A_626 = arith.mulf %gather3A_624, %gather3A_625 : vector<16xf32>
      %add3A_627 = arith.addf %add3A_621, %mul3A_626 : vector<16xf32>
      %broadcast_in_dim3A_628 = arith.constant 5 : i32
      %broadcast_in_dim3A_629 = vector.broadcast %broadcast_in_dim3A_628 : i32 to vector<16xi32>
      %gather3A_630 = tpu.vector_load_idx %arg9[%and3A_4, %broadcast_in_dim3A_629, %and3A_594] : memref<4x32x128xf32, #tpu.memory_space<vmem>>[vector<16xi32>, vector<16xi32>, vector<16xi32>], vector<16xf32>,
      %gather3A_631 = tpu.vector_load_idx %arg10[%and3A_4, %broadcast_in_dim3A_629, %and3A_597] : memref<4x32x128xf32, #tpu.memory_space<vmem>>[vector<16xi32>, vector<16xi32>, vector<16xi32>], vector<16xf32>,
      %mul3A_632 = arith.mulf %gather3A_630, %gather3A_631 : vector<16xf32>
      %add3A_633 = arith.addf %add3A_627, %mul3A_632 : vector<16xf32>
      %broadcast_in_dim3A_634 = arith.constant 6 : i32
      %broadcast_in_dim3A_635 = vector.broadcast %broadcast_in_dim3A_634 : i32 to vector<16xi32>
      %gather3A_636 = tpu.vector_load_idx %arg9[%and3A_4, %broadcast_in_dim3A_635, %and3A_594] : memref<4x32x128xf32, #tpu.memory_space<vmem>>[vector<16xi32>, vector<16xi32>, vector<16xi32>], vector<16xf32>,
      %gather3A_637 = tpu.vector_load_idx %arg10[%and3A_4, %broadcast_in_dim3A_635, %and3A_597] : memref<4x32x128xf32, #tpu.memory_space<vmem>>[vector<16xi32>, vector<16xi32>, vector<16xi32>], vector<16xf32>,
      %mul3A_638 = arith.mulf %gather3A_636, %gather3A_637 : vector<16xf32>
      %add3A_639 = arith.addf %add3A_633, %mul3A_638 : vector<16xf32>
      %broadcast_in_dim3A_640 = arith.constant 7 : i32
      %broadcast_in_dim3A_641 = vector.broadcast %broadcast_in_dim3A_640 : i32 to vector<16xi32>
      %gather3A_642 = tpu.vector_load_idx %arg9[%and3A_4, %broadcast_in_dim3A_641, %and3A_594] : memref<4x32x128xf32, #tpu.memory_space<vmem>>[vector<16xi32>, vector<16xi32>, vector<16xi32>], vector<16xf32>,
      %gather3A_643 = tpu.vector_load_idx %arg10[%and3A_4, %broadcast_in_dim3A_641, %and3A_597] : memref<4x32x128xf32, #tpu.memory_space<vmem>>[vector<16xi32>, vector<16xi32>, vector<16xi32>], vector<16xf32>,
      %mul3A_644 = arith.mulf %gather3A_642, %gather3A_643 : vector<16xf32>
      %add3A_645 = arith.addf %add3A_639, %mul3A_644 : vector<16xf32>
      %broadcast_in_dim3A_646 = arith.constant 8 : i32
      %broadcast_in_dim3A_647 = vector.broadcast %broadcast_in_dim3A_646 : i32 to vector<16xi32>
      %gather3A_648 = tpu.vector_load_idx %arg9[%and3A_4, %broadcast_in_dim3A_647, %and3A_594] : memref<4x32x128xf32, #tpu.memory_space<vmem>>[vector<16xi32>, vector<16xi32>, vector<16xi32>], vector<16xf32>,
      %gather3A_649 = tpu.vector_load_idx %arg10[%and3A_4, %broadcast_in_dim3A_647, %and3A_597] : memref<4x32x128xf32, #tpu.memory_space<vmem>>[vector<16xi32>, vector<16xi32>, vector<16xi32>], vector<16xf32>,
      %mul3A_650 = arith.mulf %gather3A_648, %gather3A_649 : vector<16xf32>
      %add3A_651 = arith.addf %add3A_645, %mul3A_650 : vector<16xf32>
      %broadcast_in_dim3A_652 = arith.constant 9 : i32
      %broadcast_in_dim3A_653 = vector.broadcast %broadcast_in_dim3A_652 : i32 to vector<16xi32>
      %gather3A_654 = tpu.vector_load_idx %arg9[%and3A_4, %broadcast_in_dim3A_653, %and3A_594] : memref<4x32x128xf32, #tpu.memory_space<vmem>>[vector<16xi32>, vector<16xi32>, vector<16xi32>], vector<16xf32>,
      %gather3A_655 = tpu.vector_load_idx %arg10[%and3A_4, %broadcast_in_dim3A_653, %and3A_597] : memref<4x32x128xf32, #tpu.memory_space<vmem>>[vector<16xi32>, vector<16xi32>, vector<16xi32>], vector<16xf32>,
      %mul3A_656 = arith.mulf %gather3A_654, %gather3A_655 : vector<16xf32>
      %add3A_657 = arith.addf %add3A_651, %mul3A_656 : vector<16xf32>
      %broadcast_in_dim3A_658 = arith.constant 10 : i32
      %broadcast_in_dim3A_659 = vector.broadcast %broadcast_in_dim3A_658 : i32 to vector<16xi32>
      %gather3A_660 = tpu.vector_load_idx %arg9[%and3A_4, %broadcast_in_dim3A_659, %and3A_594] : memref<4x32x128xf32, #tpu.memory_space<vmem>>[vector<16xi32>, vector<16xi32>, vector<16xi32>], vector<16xf32>,
      %gather3A_661 = tpu.vector_load_idx %arg10[%and3A_4, %broadcast_in_dim3A_659, %and3A_597] : memref<4x32x128xf32, #tpu.memory_space<vmem>>[vector<16xi32>, vector<16xi32>, vector<16xi32>], vector<16xf32>,
      %mul3A_662 = arith.mulf %gather3A_660, %gather3A_661 : vector<16xf32>
      %add3A_663 = arith.addf %add3A_657, %mul3A_662 : vector<16xf32>
      %broadcast_in_dim3A_664 = arith.constant 11 : i32
      %broadcast_in_dim3A_665 = vector.broadcast %broadcast_in_dim3A_664 : i32 to vector<16xi32>
      %gather3A_666 = tpu.vector_load_idx %arg9[%and3A_4, %broadcast_in_dim3A_665, %and3A_594] : memref<4x32x128xf32, #tpu.memory_space<vmem>>[vector<16xi32>, vector<16xi32>, vector<16xi32>], vector<16xf32>,
      %gather3A_667 = tpu.vector_load_idx %arg10[%and3A_4, %broadcast_in_dim3A_665, %and3A_597] : memref<4x32x128xf32, #tpu.memory_space<vmem>>[vector<16xi32>, vector<16xi32>, vector<16xi32>], vector<16xf32>,
      %mul3A_668 = arith.mulf %gather3A_666, %gather3A_667 : vector<16xf32>
      %add3A_669 = arith.addf %add3A_663, %mul3A_668 : vector<16xf32>
      %broadcast_in_dim3A_670 = arith.constant 12 : i32
      %broadcast_in_dim3A_671 = vector.broadcast %broadcast_in_dim3A_670 : i32 to vector<16xi32>
      %gather3A_672 = tpu.vector_load_idx %arg9[%and3A_4, %broadcast_in_dim3A_671, %and3A_594] : memref<4x32x128xf32, #tpu.memory_space<vmem>>[vector<16xi32>, vector<16xi32>, vector<16xi32>], vector<16xf32>,
      %gather3A_673 = tpu.vector_load_idx %arg10[%and3A_4, %broadcast_in_dim3A_671, %and3A_597] : memref<4x32x128xf32, #tpu.memory_space<vmem>>[vector<16xi32>, vector<16xi32>, vector<16xi32>], vector<16xf32>,
      %mul3A_674 = arith.mulf %gather3A_672, %gather3A_673 : vector<16xf32>
      %add3A_675 = arith.addf %add3A_669, %mul3A_674 : vector<16xf32>
      %broadcast_in_dim3A_676 = arith.constant 13 : i32
      %broadcast_in_dim3A_677 = vector.broadcast %broadcast_in_dim3A_676 : i32 to vector<16xi32>
      %gather3A_678 = tpu.vector_load_idx %arg9[%and3A_4, %broadcast_in_dim3A_677, %and3A_594] : memref<4x32x128xf32, #tpu.memory_space<vmem>>[vector<16xi32>, vector<16xi32>, vector<16xi32>], vector<16xf32>,
      %gather3A_679 = tpu.vector_load_idx %arg10[%and3A_4, %broadcast_in_dim3A_677, %and3A_597] : memref<4x32x128xf32, #tpu.memory_space<vmem>>[vector<16xi32>, vector<16xi32>, vector<16xi32>], vector<16xf32>,
      %mul3A_680 = arith.mulf %gather3A_678, %gather3A_679 : vector<16xf32>
      %add3A_681 = arith.addf %add3A_675, %mul3A_680 : vector<16xf32>
      %broadcast_in_dim3A_682 = arith.constant 14 : i32
      %broadcast_in_dim3A_683 = vector.broadcast %broadcast_in_dim3A_682 : i32 to vector<16xi32>
      %gather3A_684 = tpu.vector_load_idx %arg9[%and3A_4, %broadcast_in_dim3A_683, %and3A_594] : memref<4x32x128xf32, #tpu.memory_space<vmem>>[vector<16xi32>, vector<16xi32>, vector<16xi32>], vector<16xf32>,
      %gather3A_685 = tpu.vector_load_idx %arg10[%and3A_4, %broadcast_in_dim3A_683, %and3A_597] : memref<4x32x128xf32, #tpu.memory_space<vmem>>[vector<16xi32>, vector<16xi32>, vector<16xi32>], vector<16xf32>,
      %mul3A_686 = arith.mulf %gather3A_684, %gather3A_685 : vector<16xf32>
      %add3A_687 = arith.addf %add3A_681, %mul3A_686 : vector<16xf32>
      %broadcast_in_dim3A_688 = arith.constant 15 : i32
      %broadcast_in_dim3A_689 = vector.broadcast %broadcast_in_dim3A_688 : i32 to vector<16xi32>
      %gather3A_690 = tpu.vector_load_idx %arg9[%and3A_4, %broadcast_in_dim3A_689, %and3A_594] : memref<4x32x128xf32, #tpu.memory_space<vmem>>[vector<16xi32>, vector<16xi32>, vector<16xi32>], vector<16xf32>,
      %gather3A_691 = tpu.vector_load_idx %arg10[%and3A_4, %broadcast_in_dim3A_689, %and3A_597] : memref<4x32x128xf32, #tpu.memory_space<vmem>>[vector<16xi32>, vector<16xi32>, vector<16xi32>], vector<16xf32>,
      %mul3A_692 = arith.mulf %gather3A_690, %gather3A_691 : vector<16xf32>
      %add3A_693 = arith.addf %add3A_687, %mul3A_692 : vector<16xf32>
      %broadcast_in_dim3A_694 = arith.constant 16 : i32
      %broadcast_in_dim3A_695 = vector.broadcast %broadcast_in_dim3A_694 : i32 to vector<16xi32>
      %gather3A_696 = tpu.vector_load_idx %arg9[%and3A_4, %broadcast_in_dim3A_695, %and3A_594] : memref<4x32x128xf32, #tpu.memory_space<vmem>>[vector<16xi32>, vector<16xi32>, vector<16xi32>], vector<16xf32>,
      %gather3A_697 = tpu.vector_load_idx %arg10[%and3A_4, %broadcast_in_dim3A_695, %and3A_597] : memref<4x32x128xf32, #tpu.memory_space<vmem>>[vector<16xi32>, vector<16xi32>, vector<16xi32>], vector<16xf32>,
      %mul3A_698 = arith.mulf %gather3A_696, %gather3A_697 : vector<16xf32>
      %add3A_699 = arith.addf %add3A_693, %mul3A_698 : vector<16xf32>
      %broadcast_in_dim3A_700 = arith.constant 17 : i32
      %broadcast_in_dim3A_701 = vector.broadcast %broadcast_in_dim3A_700 : i32 to vector<16xi32>
      %gather3A_702 = tpu.vector_load_idx %arg9[%and3A_4, %broadcast_in_dim3A_701, %and3A_594] : memref<4x32x128xf32, #tpu.memory_space<vmem>>[vector<16xi32>, vector<16xi32>, vector<16xi32>], vector<16xf32>,
      %gather3A_703 = tpu.vector_load_idx %arg10[%and3A_4, %broadcast_in_dim3A_701, %and3A_597] : memref<4x32x128xf32, #tpu.memory_space<vmem>>[vector<16xi32>, vector<16xi32>, vector<16xi32>], vector<16xf32>,
      %mul3A_704 = arith.mulf %gather3A_702, %gather3A_703 : vector<16xf32>
      %add3A_705 = arith.addf %add3A_699, %mul3A_704 : vector<16xf32>
      %broadcast_in_dim3A_706 = arith.constant 18 : i32
      %broadcast_in_dim3A_707 = vector.broadcast %broadcast_in_dim3A_706 : i32 to vector<16xi32>
      %gather3A_708 = tpu.vector_load_idx %arg9[%and3A_4, %broadcast_in_dim3A_707, %and3A_594] : memref<4x32x128xf32, #tpu.memory_space<vmem>>[vector<16xi32>, vector<16xi32>, vector<16xi32>], vector<16xf32>,
      %gather3A_709 = tpu.vector_load_idx %arg10[%and3A_4, %broadcast_in_dim3A_707, %and3A_597] : memref<4x32x128xf32, #tpu.memory_space<vmem>>[vector<16xi32>, vector<16xi32>, vector<16xi32>], vector<16xf32>,
      %mul3A_710 = arith.mulf %gather3A_708, %gather3A_709 : vector<16xf32>
      %add3A_711 = arith.addf %add3A_705, %mul3A_710 : vector<16xf32>
      %broadcast_in_dim3A_712 = arith.constant 19 : i32
      %broadcast_in_dim3A_713 = vector.broadcast %broadcast_in_dim3A_712 : i32 to vector<16xi32>
      %gather3A_714 = tpu.vector_load_idx %arg9[%and3A_4, %broadcast_in_dim3A_713, %and3A_594] : memref<4x32x128xf32, #tpu.memory_space<vmem>>[vector<16xi32>, vector<16xi32>, vector<16xi32>], vector<16xf32>,
      %gather3A_715 = tpu.vector_load_idx %arg10[%and3A_4, %broadcast_in_dim3A_713, %and3A_597] : memref<4x32x128xf32, #tpu.memory_space<vmem>>[vector<16xi32>, vector<16xi32>, vector<16xi32>], vector<16xf32>,
      %mul3A_716 = arith.mulf %gather3A_714, %gather3A_715 : vector<16xf32>
      %add3A_717 = arith.addf %add3A_711, %mul3A_716 : vector<16xf32>
      %broadcast_in_dim3A_718 = arith.constant 20 : i32
      %broadcast_in_dim3A_719 = vector.broadcast %broadcast_in_dim3A_718 : i32 to vector<16xi32>
      %gather3A_720 = tpu.vector_load_idx %arg9[%and3A_4, %broadcast_in_dim3A_719, %and3A_594] : memref<4x32x128xf32, #tpu.memory_space<vmem>>[vector<16xi32>, vector<16xi32>, vector<16xi32>], vector<16xf32>,
      %gather3A_721 = tpu.vector_load_idx %arg10[%and3A_4, %broadcast_in_dim3A_719, %and3A_597] : memref<4x32x128xf32, #tpu.memory_space<vmem>>[vector<16xi32>, vector<16xi32>, vector<16xi32>], vector<16xf32>,
      %mul3A_722 = arith.mulf %gather3A_720, %gather3A_721 : vector<16xf32>
      %add3A_723 = arith.addf %add3A_717, %mul3A_722 : vector<16xf32>
      %broadcast_in_dim3A_724 = arith.constant 21 : i32
      %broadcast_in_dim3A_725 = vector.broadcast %broadcast_in_dim3A_724 : i32 to vector<16xi32>
      %gather3A_726 = tpu.vector_load_idx %arg9[%and3A_4, %broadcast_in_dim3A_725, %and3A_594] : memref<4x32x128xf32, #tpu.memory_space<vmem>>[vector<16xi32>, vector<16xi32>, vector<16xi32>], vector<16xf32>,
      %gather3A_727 = tpu.vector_load_idx %arg10[%and3A_4, %broadcast_in_dim3A_725, %and3A_597] : memref<4x32x128xf32, #tpu.memory_space<vmem>>[vector<16xi32>, vector<16xi32>, vector<16xi32>], vector<16xf32>,
      %mul3A_728 = arith.mulf %gather3A_726, %gather3A_727 : vector<16xf32>
      %add3A_729 = arith.addf %add3A_723, %mul3A_728 : vector<16xf32>
      %broadcast_in_dim3A_730 = arith.constant 22 : i32
      %broadcast_in_dim3A_731 = vector.broadcast %broadcast_in_dim3A_730 : i32 to vector<16xi32>
      %gather3A_732 = tpu.vector_load_idx %arg9[%and3A_4, %broadcast_in_dim3A_731, %and3A_594] : memref<4x32x128xf32, #tpu.memory_space<vmem>>[vector<16xi32>, vector<16xi32>, vector<16xi32>], vector<16xf32>,
      %gather3A_733 = tpu.vector_load_idx %arg10[%and3A_4, %broadcast_in_dim3A_731, %and3A_597] : memref<4x32x128xf32, #tpu.memory_space<vmem>>[vector<16xi32>, vector<16xi32>, vector<16xi32>], vector<16xf32>,
      %mul3A_734 = arith.mulf %gather3A_732, %gather3A_733 : vector<16xf32>
      %add3A_735 = arith.addf %add3A_729, %mul3A_734 : vector<16xf32>
      %broadcast_in_dim3A_736 = arith.constant 23 : i32
      %broadcast_in_dim3A_737 = vector.broadcast %broadcast_in_dim3A_736 : i32 to vector<16xi32>
      %gather3A_738 = tpu.vector_load_idx %arg9[%and3A_4, %broadcast_in_dim3A_737, %and3A_594] : memref<4x32x128xf32, #tpu.memory_space<vmem>>[vector<16xi32>, vector<16xi32>, vector<16xi32>], vector<16xf32>,
      %gather3A_739 = tpu.vector_load_idx %arg10[%and3A_4, %broadcast_in_dim3A_737, %and3A_597] : memref<4x32x128xf32, #tpu.memory_space<vmem>>[vector<16xi32>, vector<16xi32>, vector<16xi32>], vector<16xf32>,
      %mul3A_740 = arith.mulf %gather3A_738, %gather3A_739 : vector<16xf32>
      %add3A_741 = arith.addf %add3A_735, %mul3A_740 : vector<16xf32>
      %broadcast_in_dim3A_742 = arith.constant 24 : i32
      %broadcast_in_dim3A_743 = vector.broadcast %broadcast_in_dim3A_742 : i32 to vector<16xi32>
      %gather3A_744 = tpu.vector_load_idx %arg9[%and3A_4, %broadcast_in_dim3A_743, %and3A_594] : memref<4x32x128xf32, #tpu.memory_space<vmem>>[vector<16xi32>, vector<16xi32>, vector<16xi32>], vector<16xf32>,
      %gather3A_745 = tpu.vector_load_idx %arg10[%and3A_4, %broadcast_in_dim3A_743, %and3A_597] : memref<4x32x128xf32, #tpu.memory_space<vmem>>[vector<16xi32>, vector<16xi32>, vector<16xi32>], vector<16xf32>,
      %mul3A_746 = arith.mulf %gather3A_744, %gather3A_745 : vector<16xf32>
      %add3A_747 = arith.addf %add3A_741, %mul3A_746 : vector<16xf32>
      %broadcast_in_dim3A_748 = arith.constant 25 : i32
      %broadcast_in_dim3A_749 = vector.broadcast %broadcast_in_dim3A_748 : i32 to vector<16xi32>
      %gather3A_750 = tpu.vector_load_idx %arg9[%and3A_4, %broadcast_in_dim3A_749, %and3A_594] : memref<4x32x128xf32, #tpu.memory_space<vmem>>[vector<16xi32>, vector<16xi32>, vector<16xi32>], vector<16xf32>,
      %gather3A_751 = tpu.vector_load_idx %arg10[%and3A_4, %broadcast_in_dim3A_749, %and3A_597] : memref<4x32x128xf32, #tpu.memory_space<vmem>>[vector<16xi32>, vector<16xi32>, vector<16xi32>], vector<16xf32>,
      %mul3A_752 = arith.mulf %gather3A_750, %gather3A_751 : vector<16xf32>
      %add3A_753 = arith.addf %add3A_747, %mul3A_752 : vector<16xf32>
      %broadcast_in_dim3A_754 = arith.constant 26 : i32
      %broadcast_in_dim3A_755 = vector.broadcast %broadcast_in_dim3A_754 : i32 to vector<16xi32>
      %gather3A_756 = tpu.vector_load_idx %arg9[%and3A_4, %broadcast_in_dim3A_755, %and3A_594] : memref<4x32x128xf32, #tpu.memory_space<vmem>>[vector<16xi32>, vector<16xi32>, vector<16xi32>], vector<16xf32>,
      %gather3A_757 = tpu.vector_load_idx %arg10[%and3A_4, %broadcast_in_dim3A_755, %and3A_597] : memref<4x32x128xf32, #tpu.memory_space<vmem>>[vector<16xi32>, vector<16xi32>, vector<16xi32>], vector<16xf32>,
      %mul3A_758 = arith.mulf %gather3A_756, %gather3A_757 : vector<16xf32>
      %add3A_759 = arith.addf %add3A_753, %mul3A_758 : vector<16xf32>
      %broadcast_in_dim3A_760 = arith.constant 27 : i32
      %broadcast_in_dim3A_761 = vector.broadcast %broadcast_in_dim3A_760 : i32 to vector<16xi32>
      %gather3A_762 = tpu.vector_load_idx %arg9[%and3A_4, %broadcast_in_dim3A_761, %and3A_594] : memref<4x32x128xf32, #tpu.memory_space<vmem>>[vector<16xi32>, vector<16xi32>, vector<16xi32>], vector<16xf32>,
      %gather3A_763 = tpu.vector_load_idx %arg10[%and3A_4, %broadcast_in_dim3A_761, %and3A_597] : memref<4x32x128xf32, #tpu.memory_space<vmem>>[vector<16xi32>, vector<16xi32>, vector<16xi32>], vector<16xf32>,
      %mul3A_764 = arith.mulf %gather3A_762, %gather3A_763 : vector<16xf32>
      %add3A_765 = arith.addf %add3A_759, %mul3A_764 : vector<16xf32>
      %broadcast_in_dim3A_766 = arith.constant 28 : i32
      %broadcast_in_dim3A_767 = vector.broadcast %broadcast_in_dim3A_766 : i32 to vector<16xi32>
      %gather3A_768 = tpu.vector_load_idx %arg9[%and3A_4, %broadcast_in_dim3A_767, %and3A_594] : memref<4x32x128xf32, #tpu.memory_space<vmem>>[vector<16xi32>, vector<16xi32>, vector<16xi32>], vector<16xf32>,
      %gather3A_769 = tpu.vector_load_idx %arg10[%and3A_4, %broadcast_in_dim3A_767, %and3A_597] : memref<4x32x128xf32, #tpu.memory_space<vmem>>[vector<16xi32>, vector<16xi32>, vector<16xi32>], vector<16xf32>,
      %mul3A_770 = arith.mulf %gather3A_768, %gather3A_769 : vector<16xf32>
      %add3A_771 = arith.addf %add3A_765, %mul3A_770 : vector<16xf32>
      %broadcast_in_dim3A_772 = arith.constant 29 : i32
      %broadcast_in_dim3A_773 = vector.broadcast %broadcast_in_dim3A_772 : i32 to vector<16xi32>
      %gather3A_774 = tpu.vector_load_idx %arg9[%and3A_4, %broadcast_in_dim3A_773, %and3A_594] : memref<4x32x128xf32, #tpu.memory_space<vmem>>[vector<16xi32>, vector<16xi32>, vector<16xi32>], vector<16xf32>,
      %gather3A_775 = tpu.vector_load_idx %arg10[%and3A_4, %broadcast_in_dim3A_773, %and3A_597] : memref<4x32x128xf32, #tpu.memory_space<vmem>>[vector<16xi32>, vector<16xi32>, vector<16xi32>], vector<16xf32>,
      %mul3A_776 = arith.mulf %gather3A_774, %gather3A_775 : vector<16xf32>
      %add3A_777 = arith.addf %add3A_771, %mul3A_776 : vector<16xf32>
      %broadcast_in_dim3A_778 = arith.constant 30 : i32
      %broadcast_in_dim3A_779 = vector.broadcast %broadcast_in_dim3A_778 : i32 to vector<16xi32>
      %gather3A_780 = tpu.vector_load_idx %arg9[%and3A_4, %broadcast_in_dim3A_779, %and3A_594] : memref<4x32x128xf32, #tpu.memory_space<vmem>>[vector<16xi32>, vector<16xi32>, vector<16xi32>], vector<16xf32>,
      %gather3A_781 = tpu.vector_load_idx %arg10[%and3A_4, %broadcast_in_dim3A_779, %and3A_597] : memref<4x32x128xf32, #tpu.memory_space<vmem>>[vector<16xi32>, vector<16xi32>, vector<16xi32>], vector<16xf32>,
      %mul3A_782 = arith.mulf %gather3A_780, %gather3A_781 : vector<16xf32>
      %add3A_783 = arith.addf %add3A_777, %mul3A_782 : vector<16xf32>
      %broadcast_in_dim3A_784 = arith.constant 31 : i32
      %broadcast_in_dim3A_785 = vector.broadcast %broadcast_in_dim3A_784 : i32 to vector<16xi32>
      %gather3A_786 = tpu.vector_load_idx %arg9[%and3A_4, %broadcast_in_dim3A_785, %and3A_594] : memref<4x32x128xf32, #tpu.memory_space<vmem>>[vector<16xi32>, vector<16xi32>, vector<16xi32>], vector<16xf32>,
      %gather3A_787 = tpu.vector_load_idx %arg10[%and3A_4, %broadcast_in_dim3A_785, %and3A_597] : memref<4x32x128xf32, #tpu.memory_space<vmem>>[vector<16xi32>, vector<16xi32>, vector<16xi32>], vector<16xf32>,
      %mul3A_788 = arith.mulf %gather3A_786, %gather3A_787 : vector<16xf32>
      %add3A_789 = arith.addf %add3A_783, %mul3A_788 : vector<16xf32>
      %mul3A_790 = arith.constant 4 : i32
      %mul3A_791 = arith.muli %mul3A_291, %mul3A_790 : i32
      %swap3A = arith.index_cast %mul3A_791 : i32 to index
      %swap3A_792 = tpu.vector_load %arg13[%swap3A] masked %lt3A_6 {strides = array<i32>} : memref<528xf32, #tpu.memory_space<vmem>>, vector<16xf32>, vector<16xi1>
      tpu.vector_store %arg13[%swap3A], %add3A_789 masked %lt3A_6 {strides = array<i32>} : memref<528xf32, #tpu.memory_space<vmem>>, vector<16xf32>, vector<16xi1>
      %add3A_793 = arith.constant 2 : i32
      %add3A_794 = arith.addi %mul3A_291, %add3A_793 : i32
      %min3A = arith.constant 127 : i32
      %min3A_795 = arith.minsi %add3A_794, %min3A : i32
      %mul3A_796 = arith.constant 4 : i32
      %mul3A_797 = arith.muli %min3A_795, %mul3A_796 : i32
      %get3A_798 = arith.index_cast %mul3A_797 : i32 to index
      %get3A_799 = tpu.vector_load %arg7[%get3A_798] {strides = array<i32>} : memref<528xi32, #tpu.memory_space<vmem>>, vector<16xi32>,
      %mul3A_800 = arith.constant 4 : i32
      %mul3A_801 = arith.muli %min3A_795, %mul3A_800 : i32
      %get3A_802 = arith.index_cast %mul3A_801 : i32 to index
      %get3A_803 = tpu.vector_load %arg8[%get3A_802] {strides = array<i32>} : memref<528xi32, #tpu.memory_space<vmem>>, vector<16xi32>,
      %slice3A_804 = vector.extract_strided_slice %get3A_799 {offsets = [0], sizes = [1], strides = [1]} : vector<16xi32> to vector<1xi32>
      %squeeze3A_805 = vector.extract %slice3A_804[0] : i32 from vector<1xi32>
      %shift_right_arithmetic3A_806 = arith.constant 7 : i32
      %shift_right_arithmetic3A_807 = arith.shrsi %squeeze3A_805, %shift_right_arithmetic3A_806 : i32
      %mul3A_808 = arith.constant 128 : i32
      %mul3A_809 = arith.muli %shift_right_arithmetic3A_807, %mul3A_808 : i32
      %multiple_of3A_810 = tpu.assume_multiple %mul3A_809, 128 : i32
      %slice3A_811 = vector.extract_strided_slice %get3A_803 {offsets = [0], sizes = [1], strides = [1]} : vector<16xi32> to vector<1xi32>
      %squeeze3A_812 = vector.extract %slice3A_811[0] : i32 from vector<1xi32>
      %shift_right_arithmetic3A_813 = arith.constant 7 : i32
      %shift_right_arithmetic3A_814 = arith.shrsi %squeeze3A_812, %shift_right_arithmetic3A_813 : i32
      %mul3A_815 = arith.constant 128 : i32
      %mul3A_816 = arith.muli %shift_right_arithmetic3A_814, %mul3A_815 : i32
      %multiple_of3A_817 = tpu.assume_multiple %mul3A_816, 128 : i32
      %dma_start3A_818 = arith.constant 0 : i32
      %dma_start3A_819 = arith.constant 0 : i32
      %dma_start3A_820 = arith.constant 0 : i32
      %dma_start3A_821 = tpu.memref_slice %arg9[%dma_start3A_818, %dma_start3A_819, %dma_start3A_820] : memref<4x32x128xf32, #tpu.memory_space<vmem>> -> memref<1x32x128xf32, #tpu.memory_space<vmem>>
      %dma_start3A_822 = tpu.memref_squeeze %dma_start3A_821 : memref<1x32x128xf32, #tpu.memory_space<vmem>> -> memref<32x128xf32, #tpu.memory_space<vmem>>
      %dma_start3A_823 = arith.constant 0 : i32
      %dma_start3A_824 = tpu.memref_slice %arg4[%dma_start3A_823, %multiple_of3A_810] : memref<32x1000000xf32, #tpu.memory_space<hbm>> -> memref<32x128xf32, #tpu.memory_space<hbm>>
      %dma_start3A_825 = arith.constant 0 : i32
      %dma_start3A_826 = arith.constant 0 : i32
      %dma_start3A_827 = tpu.memref_slice %arg9[%dma_start3A_818, %dma_start3A_825, %dma_start3A_826] : memref<4x32x128xf32, #tpu.memory_space<vmem>> -> memref<1x32x128xf32, #tpu.memory_space<vmem>>
      %dma_start3A_828 = tpu.memref_squeeze %dma_start3A_827 : memref<1x32x128xf32, #tpu.memory_space<vmem>> -> memref<32x128xf32, #tpu.memory_space<vmem>>
      %dma_start3A_829 = arith.constant 0 : i32
      %dma_start3A_830 = tpu.memref_slice %arg4[%dma_start3A_829, %multiple_of3A_810] : memref<32x1000000xf32, #tpu.memory_space<hbm>> -> memref<32x128xf32, #tpu.memory_space<hbm>>
      tpu.enqueue_dma source(%dma_start3A_830 : memref<32x128xf32, #tpu.memory_space<hbm>>) target(%dma_start3A_828 : memref<32x128xf32, #tpu.memory_space<vmem>>) target_semaphore(%arg14 : memref<!tpu.dma_semaphore, #tpu.memory_space<semaphore_mem>>)
      %dma_start3A_831 = arith.constant 0 : i32
      %dma_start3A_832 = arith.constant 0 : i32
      %dma_start3A_833 = arith.constant 0 : i32
      %dma_start3A_834 = tpu.memref_slice %arg10[%dma_start3A_831, %dma_start3A_832, %dma_start3A_833] : memref<4x32x128xf32, #tpu.memory_space<vmem>> -> memref<1x32x128xf32, #tpu.memory_space<vmem>>
      %dma_start3A_835 = tpu.memref_squeeze %dma_start3A_834 : memref<1x32x128xf32, #tpu.memory_space<vmem>> -> memref<32x128xf32, #tpu.memory_space<vmem>>
      %dma_start3A_836 = arith.constant 0 : i32
      %dma_start3A_837 = tpu.memref_slice %arg5[%dma_start3A_836, %multiple_of3A_817] : memref<32x1000000xf32, #tpu.memory_space<hbm>> -> memref<32x128xf32, #tpu.memory_space<hbm>>
      %dma_start3A_838 = arith.constant 0 : i32
      %dma_start3A_839 = arith.constant 0 : i32
      %dma_start3A_840 = tpu.memref_slice %arg10[%dma_start3A_831, %dma_start3A_838, %dma_start3A_839] : memref<4x32x128xf32, #tpu.memory_space<vmem>> -> memref<1x32x128xf32, #tpu.memory_space<vmem>>
      %dma_start3A_841 = tpu.memref_squeeze %dma_start3A_840 : memref<1x32x128xf32, #tpu.memory_space<vmem>> -> memref<32x128xf32, #tpu.memory_space<vmem>>
      %dma_start3A_842 = arith.constant 0 : i32
      %dma_start3A_843 = tpu.memref_slice %arg5[%dma_start3A_842, %multiple_of3A_817] : memref<32x1000000xf32, #tpu.memory_space<hbm>> -> memref<32x128xf32, #tpu.memory_space<hbm>>
      tpu.enqueue_dma source(%dma_start3A_843 : memref<32x128xf32, #tpu.memory_space<hbm>>) target(%dma_start3A_841 : memref<32x128xf32, #tpu.memory_space<vmem>>) target_semaphore(%arg14 : memref<!tpu.dma_semaphore, #tpu.memory_space<semaphore_mem>>)
      %slice3A_844 = vector.extract_strided_slice %get3A_799 {offsets = [1], sizes = [1], strides = [1]} : vector<16xi32> to vector<1xi32>
      %squeeze3A_845 = vector.extract %slice3A_844[0] : i32 from vector<1xi32>
      %shift_right_arithmetic3A_846 = arith.constant 7 : i32
      %shift_right_arithmetic3A_847 = arith.shrsi %squeeze3A_845, %shift_right_arithmetic3A_846 : i32
      %mul3A_848 = arith.constant 128 : i32
      %mul3A_849 = arith.muli %shift_right_arithmetic3A_847, %mul3A_848 : i32
      %multiple_of3A_850 = tpu.assume_multiple %mul3A_849, 128 : i32
      %slice3A_851 = vector.extract_strided_slice %get3A_803 {offsets = [1], sizes = [1], strides = [1]} : vector<16xi32> to vector<1xi32>
      %squeeze3A_852 = vector.extract %slice3A_851[0] : i32 from vector<1xi32>
      %shift_right_arithmetic3A_853 = arith.constant 7 : i32
      %shift_right_arithmetic3A_854 = arith.shrsi %squeeze3A_852, %shift_right_arithmetic3A_853 : i32
      %mul3A_855 = arith.constant 128 : i32
      %mul3A_856 = arith.muli %shift_right_arithmetic3A_854, %mul3A_855 : i32
      %multiple_of3A_857 = tpu.assume_multiple %mul3A_856, 128 : i32
      %dma_start3A_858 = arith.constant 1 : i32
      %dma_start3A_859 = arith.constant 0 : i32
      %dma_start3A_860 = arith.constant 0 : i32
      %dma_start3A_861 = tpu.memref_slice %arg9[%dma_start3A_858, %dma_start3A_859, %dma_start3A_860] : memref<4x32x128xf32, #tpu.memory_space<vmem>> -> memref<1x32x128xf32, #tpu.memory_space<vmem>>
      %dma_start3A_862 = tpu.memref_squeeze %dma_start3A_861 : memref<1x32x128xf32, #tpu.memory_space<vmem>> -> memref<32x128xf32, #tpu.memory_space<vmem>>
      %dma_start3A_863 = arith.constant 0 : i32
      %dma_start3A_864 = tpu.memref_slice %arg4[%dma_start3A_863, %multiple_of3A_850] : memref<32x1000000xf32, #tpu.memory_space<hbm>> -> memref<32x128xf32, #tpu.memory_space<hbm>>
      %dma_start3A_865 = arith.constant 0 : i32
      %dma_start3A_866 = arith.constant 0 : i32
      %dma_start3A_867 = tpu.memref_slice %arg9[%dma_start3A_858, %dma_start3A_865, %dma_start3A_866] : memref<4x32x128xf32, #tpu.memory_space<vmem>> -> memref<1x32x128xf32, #tpu.memory_space<vmem>>
      %dma_start3A_868 = tpu.memref_squeeze %dma_start3A_867 : memref<1x32x128xf32, #tpu.memory_space<vmem>> -> memref<32x128xf32, #tpu.memory_space<vmem>>
      %dma_start3A_869 = arith.constant 0 : i32
      %dma_start3A_870 = tpu.memref_slice %arg4[%dma_start3A_869, %multiple_of3A_850] : memref<32x1000000xf32, #tpu.memory_space<hbm>> -> memref<32x128xf32, #tpu.memory_space<hbm>>
      tpu.enqueue_dma source(%dma_start3A_870 : memref<32x128xf32, #tpu.memory_space<hbm>>) target(%dma_start3A_868 : memref<32x128xf32, #tpu.memory_space<vmem>>) target_semaphore(%arg14 : memref<!tpu.dma_semaphore, #tpu.memory_space<semaphore_mem>>)
      %dma_start3A_871 = arith.constant 1 : i32
      %dma_start3A_872 = arith.constant 0 : i32
      %dma_start3A_873 = arith.constant 0 : i32
      %dma_start3A_874 = tpu.memref_slice %arg10[%dma_start3A_871, %dma_start3A_872, %dma_start3A_873] : memref<4x32x128xf32, #tpu.memory_space<vmem>> -> memref<1x32x128xf32, #tpu.memory_space<vmem>>
      %dma_start3A_875 = tpu.memref_squeeze %dma_start3A_874 : memref<1x32x128xf32, #tpu.memory_space<vmem>> -> memref<32x128xf32, #tpu.memory_space<vmem>>
      %dma_start3A_876 = arith.constant 0 : i32
      %dma_start3A_877 = tpu.memref_slice %arg5[%dma_start3A_876, %multiple_of3A_857] : memref<32x1000000xf32, #tpu.memory_space<hbm>> -> memref<32x128xf32, #tpu.memory_space<hbm>>
      %dma_start3A_878 = arith.constant 0 : i32
      %dma_start3A_879 = arith.constant 0 : i32
      %dma_start3A_880 = tpu.memref_slice %arg10[%dma_start3A_871, %dma_start3A_878, %dma_start3A_879] : memref<4x32x128xf32, #tpu.memory_space<vmem>> -> memref<1x32x128xf32, #tpu.memory_space<vmem>>
      %dma_start3A_881 = tpu.memref_squeeze %dma_start3A_880 : memref<1x32x128xf32, #tpu.memory_space<vmem>> -> memref<32x128xf32, #tpu.memory_space<vmem>>
      %dma_start3A_882 = arith.constant 0 : i32
      %dma_start3A_883 = tpu.memref_slice %arg5[%dma_start3A_882, %multiple_of3A_857] : memref<32x1000000xf32, #tpu.memory_space<hbm>> -> memref<32x128xf32, #tpu.memory_space<hbm>>
      tpu.enqueue_dma source(%dma_start3A_883 : memref<32x128xf32, #tpu.memory_space<hbm>>) target(%dma_start3A_881 : memref<32x128xf32, #tpu.memory_space<vmem>>) target_semaphore(%arg14 : memref<!tpu.dma_semaphore, #tpu.memory_space<semaphore_mem>>)
      %slice3A_884 = vector.extract_strided_slice %get3A_799 {offsets = [2], sizes = [1], strides = [1]} : vector<16xi32> to vector<1xi32>
      %squeeze3A_885 = vector.extract %slice3A_884[0] : i32 from vector<1xi32>
      %shift_right_arithmetic3A_886 = arith.constant 7 : i32
      %shift_right_arithmetic3A_887 = arith.shrsi %squeeze3A_885, %shift_right_arithmetic3A_886 : i32
      %mul3A_888 = arith.constant 128 : i32
      %mul3A_889 = arith.muli %shift_right_arithmetic3A_887, %mul3A_888 : i32
      %multiple_of3A_890 = tpu.assume_multiple %mul3A_889, 128 : i32
      %slice3A_891 = vector.extract_strided_slice %get3A_803 {offsets = [2], sizes = [1], strides = [1]} : vector<16xi32> to vector<1xi32>
      %squeeze3A_892 = vector.extract %slice3A_891[0] : i32 from vector<1xi32>
      %shift_right_arithmetic3A_893 = arith.constant 7 : i32
      %shift_right_arithmetic3A_894 = arith.shrsi %squeeze3A_892, %shift_right_arithmetic3A_893 : i32
      %mul3A_895 = arith.constant 128 : i32
      %mul3A_896 = arith.muli %shift_right_arithmetic3A_894, %mul3A_895 : i32
      %multiple_of3A_897 = tpu.assume_multiple %mul3A_896, 128 : i32
      %dma_start3A_898 = arith.constant 2 : i32
      %dma_start3A_899 = arith.constant 0 : i32
      %dma_start3A_900 = arith.constant 0 : i32
      %dma_start3A_901 = tpu.memref_slice %arg9[%dma_start3A_898, %dma_start3A_899, %dma_start3A_900] : memref<4x32x128xf32, #tpu.memory_space<vmem>> -> memref<1x32x128xf32, #tpu.memory_space<vmem>>
      %dma_start3A_902 = tpu.memref_squeeze %dma_start3A_901 : memref<1x32x128xf32, #tpu.memory_space<vmem>> -> memref<32x128xf32, #tpu.memory_space<vmem>>
      %dma_start3A_903 = arith.constant 0 : i32
      %dma_start3A_904 = tpu.memref_slice %arg4[%dma_start3A_903, %multiple_of3A_890] : memref<32x1000000xf32, #tpu.memory_space<hbm>> -> memref<32x128xf32, #tpu.memory_space<hbm>>
      %dma_start3A_905 = arith.constant 0 : i32
      %dma_start3A_906 = arith.constant 0 : i32
      %dma_start3A_907 = tpu.memref_slice %arg9[%dma_start3A_898, %dma_start3A_905, %dma_start3A_906] : memref<4x32x128xf32, #tpu.memory_space<vmem>> -> memref<1x32x128xf32, #tpu.memory_space<vmem>>
      %dma_start3A_908 = tpu.memref_squeeze %dma_start3A_907 : memref<1x32x128xf32, #tpu.memory_space<vmem>> -> memref<32x128xf32, #tpu.memory_space<vmem>>
      %dma_start3A_909 = arith.constant 0 : i32
      %dma_start3A_910 = tpu.memref_slice %arg4[%dma_start3A_909, %multiple_of3A_890] : memref<32x1000000xf32, #tpu.memory_space<hbm>> -> memref<32x128xf32, #tpu.memory_space<hbm>>
      tpu.enqueue_dma source(%dma_start3A_910 : memref<32x128xf32, #tpu.memory_space<hbm>>) target(%dma_start3A_908 : memref<32x128xf32, #tpu.memory_space<vmem>>) target_semaphore(%arg14 : memref<!tpu.dma_semaphore, #tpu.memory_space<semaphore_mem>>)
      %dma_start3A_911 = arith.constant 2 : i32
      %dma_start3A_912 = arith.constant 0 : i32
      %dma_start3A_913 = arith.constant 0 : i32
      %dma_start3A_914 = tpu.memref_slice %arg10[%dma_start3A_911, %dma_start3A_912, %dma_start3A_913] : memref<4x32x128xf32, #tpu.memory_space<vmem>> -> memref<1x32x128xf32, #tpu.memory_space<vmem>>
      %dma_start3A_915 = tpu.memref_squeeze %dma_start3A_914 : memref<1x32x128xf32, #tpu.memory_space<vmem>> -> memref<32x128xf32, #tpu.memory_space<vmem>>
      %dma_start3A_916 = arith.constant 0 : i32
      %dma_start3A_917 = tpu.memref_slice %arg5[%dma_start3A_916, %multiple_of3A_897] : memref<32x1000000xf32, #tpu.memory_space<hbm>> -> memref<32x128xf32, #tpu.memory_space<hbm>>
      %dma_start3A_918 = arith.constant 0 : i32
      %dma_start3A_919 = arith.constant 0 : i32
      %dma_start3A_920 = tpu.memref_slice %arg10[%dma_start3A_911, %dma_start3A_918, %dma_start3A_919] : memref<4x32x128xf32, #tpu.memory_space<vmem>> -> memref<1x32x128xf32, #tpu.memory_space<vmem>>
      %dma_start3A_921 = tpu.memref_squeeze %dma_start3A_920 : memref<1x32x128xf32, #tpu.memory_space<vmem>> -> memref<32x128xf32, #tpu.memory_space<vmem>>
      %dma_start3A_922 = arith.constant 0 : i32
      %dma_start3A_923 = tpu.memref_slice %arg5[%dma_start3A_922, %multiple_of3A_897] : memref<32x1000000xf32, #tpu.memory_space<hbm>> -> memref<32x128xf32, #tpu.memory_space<hbm>>
      tpu.enqueue_dma source(%dma_start3A_923 : memref<32x128xf32, #tpu.memory_space<hbm>>) target(%dma_start3A_921 : memref<32x128xf32, #tpu.memory_space<vmem>>) target_semaphore(%arg14 : memref<!tpu.dma_semaphore, #tpu.memory_space<semaphore_mem>>)
      %slice3A_924 = vector.extract_strided_slice %get3A_799 {offsets = [3], sizes = [1], strides = [1]} : vector<16xi32> to vector<1xi32>
      %squeeze3A_925 = vector.extract %slice3A_924[0] : i32 from vector<1xi32>
      %shift_right_arithmetic3A_926 = arith.constant 7 : i32
      %shift_right_arithmetic3A_927 = arith.shrsi %squeeze3A_925, %shift_right_arithmetic3A_926 : i32
      %mul3A_928 = arith.constant 128 : i32
      %mul3A_929 = arith.muli %shift_right_arithmetic3A_927, %mul3A_928 : i32
      %multiple_of3A_930 = tpu.assume_multiple %mul3A_929, 128 : i32
      %slice3A_931 = vector.extract_strided_slice %get3A_803 {offsets = [3], sizes = [1], strides = [1]} : vector<16xi32> to vector<1xi32>
      %squeeze3A_932 = vector.extract %slice3A_931[0] : i32 from vector<1xi32>
      %shift_right_arithmetic3A_933 = arith.constant 7 : i32
      %shift_right_arithmetic3A_934 = arith.shrsi %squeeze3A_932, %shift_right_arithmetic3A_933 : i32
      %mul3A_935 = arith.constant 128 : i32
      %mul3A_936 = arith.muli %shift_right_arithmetic3A_934, %mul3A_935 : i32
      %multiple_of3A_937 = tpu.assume_multiple %mul3A_936, 128 : i32
      %dma_start3A_938 = arith.constant 3 : i32
      %dma_start3A_939 = arith.constant 0 : i32
      %dma_start3A_940 = arith.constant 0 : i32
      %dma_start3A_941 = tpu.memref_slice %arg9[%dma_start3A_938, %dma_start3A_939, %dma_start3A_940] : memref<4x32x128xf32, #tpu.memory_space<vmem>> -> memref<1x32x128xf32, #tpu.memory_space<vmem>>
      %dma_start3A_942 = tpu.memref_squeeze %dma_start3A_941 : memref<1x32x128xf32, #tpu.memory_space<vmem>> -> memref<32x128xf32, #tpu.memory_space<vmem>>
      %dma_start3A_943 = arith.constant 0 : i32
      %dma_start3A_944 = tpu.memref_slice %arg4[%dma_start3A_943, %multiple_of3A_930] : memref<32x1000000xf32, #tpu.memory_space<hbm>> -> memref<32x128xf32, #tpu.memory_space<hbm>>
      %dma_start3A_945 = arith.constant 0 : i32
      %dma_start3A_946 = arith.constant 0 : i32
      %dma_start3A_947 = tpu.memref_slice %arg9[%dma_start3A_938, %dma_start3A_945, %dma_start3A_946] : memref<4x32x128xf32, #tpu.memory_space<vmem>> -> memref<1x32x128xf32, #tpu.memory_space<vmem>>
      %dma_start3A_948 = tpu.memref_squeeze %dma_start3A_947 : memref<1x32x128xf32, #tpu.memory_space<vmem>> -> memref<32x128xf32, #tpu.memory_space<vmem>>
      %dma_start3A_949 = arith.constant 0 : i32
      %dma_start3A_950 = tpu.memref_slice %arg4[%dma_start3A_949, %multiple_of3A_930] : memref<32x1000000xf32, #tpu.memory_space<hbm>> -> memref<32x128xf32, #tpu.memory_space<hbm>>
      tpu.enqueue_dma source(%dma_start3A_950 : memref<32x128xf32, #tpu.memory_space<hbm>>) target(%dma_start3A_948 : memref<32x128xf32, #tpu.memory_space<vmem>>) target_semaphore(%arg14 : memref<!tpu.dma_semaphore, #tpu.memory_space<semaphore_mem>>)
      %dma_start3A_951 = arith.constant 3 : i32
      %dma_start3A_952 = arith.constant 0 : i32
      %dma_start3A_953 = arith.constant 0 : i32
      %dma_start3A_954 = tpu.memref_slice %arg10[%dma_start3A_951, %dma_start3A_952, %dma_start3A_953] : memref<4x32x128xf32, #tpu.memory_space<vmem>> -> memref<1x32x128xf32, #tpu.memory_space<vmem>>
      %dma_start3A_955 = tpu.memref_squeeze %dma_start3A_954 : memref<1x32x128xf32, #tpu.memory_space<vmem>> -> memref<32x128xf32, #tpu.memory_space<vmem>>
      %dma_start3A_956 = arith.constant 0 : i32
      %dma_start3A_957 = tpu.memref_slice %arg5[%dma_start3A_956, %multiple_of3A_937] : memref<32x1000000xf32, #tpu.memory_space<hbm>> -> memref<32x128xf32, #tpu.memory_space<hbm>>
      %dma_start3A_958 = arith.constant 0 : i32
      %dma_start3A_959 = arith.constant 0 : i32
      %dma_start3A_960 = tpu.memref_slice %arg10[%dma_start3A_951, %dma_start3A_958, %dma_start3A_959] : memref<4x32x128xf32, #tpu.memory_space<vmem>> -> memref<1x32x128xf32, #tpu.memory_space<vmem>>
      %dma_start3A_961 = tpu.memref_squeeze %dma_start3A_960 : memref<1x32x128xf32, #tpu.memory_space<vmem>> -> memref<32x128xf32, #tpu.memory_space<vmem>>
      %dma_start3A_962 = arith.constant 0 : i32
      %dma_start3A_963 = tpu.memref_slice %arg5[%dma_start3A_962, %multiple_of3A_937] : memref<32x1000000xf32, #tpu.memory_space<hbm>> -> memref<32x128xf32, #tpu.memory_space<hbm>>
      tpu.enqueue_dma source(%dma_start3A_963 : memref<32x128xf32, #tpu.memory_space<hbm>>) target(%dma_start3A_961 : memref<32x128xf32, #tpu.memory_space<vmem>>) target_semaphore(%arg14 : memref<!tpu.dma_semaphore, #tpu.memory_space<semaphore_mem>>)
      %dma_wait3A_964 = arith.constant 0 : i32
      %dma_wait3A_965 = arith.constant 0 : i32
      %dma_wait3A_966 = arith.constant 0 : i32
      %dma_wait3A_967 = tpu.memref_slice %arg11[%dma_wait3A_964, %dma_wait3A_965, %dma_wait3A_966] : memref<4x32x128xf32, #tpu.memory_space<vmem>> -> memref<1x32x128xf32, #tpu.memory_space<vmem>>
      %dma_wait3A_968 = tpu.memref_squeeze %dma_wait3A_967 : memref<1x32x128xf32, #tpu.memory_space<vmem>> -> memref<32x128xf32, #tpu.memory_space<vmem>>
      %dma_wait3A_969 = arith.constant 0 : i32
      %dma_wait3A_970 = arith.constant 0 : i32
      %dma_wait3A_971 = tpu.memref_slice %arg4[%dma_wait3A_969, %dma_wait3A_970] : memref<32x1000000xf32, #tpu.memory_space<hbm>> -> memref<32x128xf32, #tpu.memory_space<hbm>>
      %dma_wait3A_972 = arith.constant 0 : i32
      %dma_wait3A_973 = arith.constant 0 : i32
      %dma_wait3A_974 = tpu.memref_slice %arg11[%dma_wait3A_964, %dma_wait3A_972, %dma_wait3A_973] : memref<4x32x128xf32, #tpu.memory_space<vmem>> -> memref<1x32x128xf32, #tpu.memory_space<vmem>>
      %dma_wait3A_975 = tpu.memref_squeeze %dma_wait3A_974 : memref<1x32x128xf32, #tpu.memory_space<vmem>> -> memref<32x128xf32, #tpu.memory_space<vmem>>
      %dma_wait3A_976 = arith.constant 0 : i32
      %dma_wait3A_977 = arith.constant 0 : i32
      %dma_wait3A_978 = tpu.memref_slice %arg4[%dma_wait3A_976, %dma_wait3A_977] : memref<32x1000000xf32, #tpu.memory_space<hbm>> -> memref<32x128xf32, #tpu.memory_space<hbm>>
      tpu.wait_dma2 semaphore(%arg15 : memref<!tpu.dma_semaphore, #tpu.memory_space<semaphore_mem>>) src(%dma_wait3A_978 : memref<32x128xf32, #tpu.memory_space<hbm>>) dst(%dma_wait3A_975 : memref<32x128xf32, #tpu.memory_space<vmem>>)
      %dma_wait3A_979 = arith.constant 0 : i32
      %dma_wait3A_980 = arith.constant 0 : i32
      %dma_wait3A_981 = arith.constant 0 : i32
      %dma_wait3A_982 = tpu.memref_slice %arg12[%dma_wait3A_979, %dma_wait3A_980, %dma_wait3A_981] : memref<4x32x128xf32, #tpu.memory_space<vmem>> -> memref<1x32x128xf32, #tpu.memory_space<vmem>>
      %dma_wait3A_983 = tpu.memref_squeeze %dma_wait3A_982 : memref<1x32x128xf32, #tpu.memory_space<vmem>> -> memref<32x128xf32, #tpu.memory_space<vmem>>
      %dma_wait3A_984 = arith.constant 0 : i32
      %dma_wait3A_985 = arith.constant 0 : i32
      %dma_wait3A_986 = tpu.memref_slice %arg5[%dma_wait3A_984, %dma_wait3A_985] : memref<32x1000000xf32, #tpu.memory_space<hbm>> -> memref<32x128xf32, #tpu.memory_space<hbm>>
      %dma_wait3A_987 = arith.constant 0 : i32
      %dma_wait3A_988 = arith.constant 0 : i32
      %dma_wait3A_989 = tpu.memref_slice %arg12[%dma_wait3A_979, %dma_wait3A_987, %dma_wait3A_988] : memref<4x32x128xf32, #tpu.memory_space<vmem>> -> memref<1x32x128xf32, #tpu.memory_space<vmem>>
      %dma_wait3A_990 = tpu.memref_squeeze %dma_wait3A_989 : memref<1x32x128xf32, #tpu.memory_space<vmem>> -> memref<32x128xf32, #tpu.memory_space<vmem>>
      %dma_wait3A_991 = arith.constant 0 : i32
      %dma_wait3A_992 = arith.constant 0 : i32
      %dma_wait3A_993 = tpu.memref_slice %arg5[%dma_wait3A_991, %dma_wait3A_992] : memref<32x1000000xf32, #tpu.memory_space<hbm>> -> memref<32x128xf32, #tpu.memory_space<hbm>>
      tpu.wait_dma2 semaphore(%arg15 : memref<!tpu.dma_semaphore, #tpu.memory_space<semaphore_mem>>) src(%dma_wait3A_993 : memref<32x128xf32, #tpu.memory_space<hbm>>) dst(%dma_wait3A_990 : memref<32x128xf32, #tpu.memory_space<vmem>>)
      %dma_wait3A_994 = arith.constant 1 : i32
      %dma_wait3A_995 = arith.constant 0 : i32
      %dma_wait3A_996 = arith.constant 0 : i32
      %dma_wait3A_997 = tpu.memref_slice %arg11[%dma_wait3A_994, %dma_wait3A_995, %dma_wait3A_996] : memref<4x32x128xf32, #tpu.memory_space<vmem>> -> memref<1x32x128xf32, #tpu.memory_space<vmem>>
      %dma_wait3A_998 = tpu.memref_squeeze %dma_wait3A_997 : memref<1x32x128xf32, #tpu.memory_space<vmem>> -> memref<32x128xf32, #tpu.memory_space<vmem>>
      %dma_wait3A_999 = arith.constant 0 : i32
      %dma_wait3A_1000 = arith.constant 0 : i32
      %dma_wait3A_1001 = tpu.memref_slice %arg4[%dma_wait3A_999, %dma_wait3A_1000] : memref<32x1000000xf32, #tpu.memory_space<hbm>> -> memref<32x128xf32, #tpu.memory_space<hbm>>
      %dma_wait3A_1002 = arith.constant 0 : i32
      %dma_wait3A_1003 = arith.constant 0 : i32
      %dma_wait3A_1004 = tpu.memref_slice %arg11[%dma_wait3A_994, %dma_wait3A_1002, %dma_wait3A_1003] : memref<4x32x128xf32, #tpu.memory_space<vmem>> -> memref<1x32x128xf32, #tpu.memory_space<vmem>>
      %dma_wait3A_1005 = tpu.memref_squeeze %dma_wait3A_1004 : memref<1x32x128xf32, #tpu.memory_space<vmem>> -> memref<32x128xf32, #tpu.memory_space<vmem>>
      %dma_wait3A_1006 = arith.constant 0 : i32
      %dma_wait3A_1007 = arith.constant 0 : i32
      %dma_wait3A_1008 = tpu.memref_slice %arg4[%dma_wait3A_1006, %dma_wait3A_1007] : memref<32x1000000xf32, #tpu.memory_space<hbm>> -> memref<32x128xf32, #tpu.memory_space<hbm>>
      tpu.wait_dma2 semaphore(%arg15 : memref<!tpu.dma_semaphore, #tpu.memory_space<semaphore_mem>>) src(%dma_wait3A_1008 : memref<32x128xf32, #tpu.memory_space<hbm>>) dst(%dma_wait3A_1005 : memref<32x128xf32, #tpu.memory_space<vmem>>)
      %dma_wait3A_1009 = arith.constant 1 : i32
      %dma_wait3A_1010 = arith.constant 0 : i32
      %dma_wait3A_1011 = arith.constant 0 : i32
      %dma_wait3A_1012 = tpu.memref_slice %arg12[%dma_wait3A_1009, %dma_wait3A_1010, %dma_wait3A_1011] : memref<4x32x128xf32, #tpu.memory_space<vmem>> -> memref<1x32x128xf32, #tpu.memory_space<vmem>>
      %dma_wait3A_1013 = tpu.memref_squeeze %dma_wait3A_1012 : memref<1x32x128xf32, #tpu.memory_space<vmem>> -> memref<32x128xf32, #tpu.memory_space<vmem>>
      %dma_wait3A_1014 = arith.constant 0 : i32
      %dma_wait3A_1015 = arith.constant 0 : i32
      %dma_wait3A_1016 = tpu.memref_slice %arg5[%dma_wait3A_1014, %dma_wait3A_1015] : memref<32x1000000xf32, #tpu.memory_space<hbm>> -> memref<32x128xf32, #tpu.memory_space<hbm>>
      %dma_wait3A_1017 = arith.constant 0 : i32
      %dma_wait3A_1018 = arith.constant 0 : i32
      %dma_wait3A_1019 = tpu.memref_slice %arg12[%dma_wait3A_1009, %dma_wait3A_1017, %dma_wait3A_1018] : memref<4x32x128xf32, #tpu.memory_space<vmem>> -> memref<1x32x128xf32, #tpu.memory_space<vmem>>
      %dma_wait3A_1020 = tpu.memref_squeeze %dma_wait3A_1019 : memref<1x32x128xf32, #tpu.memory_space<vmem>> -> memref<32x128xf32, #tpu.memory_space<vmem>>
      %dma_wait3A_1021 = arith.constant 0 : i32
      %dma_wait3A_1022 = arith.constant 0 : i32
      %dma_wait3A_1023 = tpu.memref_slice %arg5[%dma_wait3A_1021, %dma_wait3A_1022] : memref<32x1000000xf32, #tpu.memory_space<hbm>> -> memref<32x128xf32, #tpu.memory_space<hbm>>
      tpu.wait_dma2 semaphore(%arg15 : memref<!tpu.dma_semaphore, #tpu.memory_space<semaphore_mem>>) src(%dma_wait3A_1023 : memref<32x128xf32, #tpu.memory_space<hbm>>) dst(%dma_wait3A_1020 : memref<32x128xf32, #tpu.memory_space<vmem>>)
      %dma_wait3A_1024 = arith.constant 2 : i32
      %dma_wait3A_1025 = arith.constant 0 : i32
      %dma_wait3A_1026 = arith.constant 0 : i32
      %dma_wait3A_1027 = tpu.memref_slice %arg11[%dma_wait3A_1024, %dma_wait3A_1025, %dma_wait3A_1026] : memref<4x32x128xf32, #tpu.memory_space<vmem>> -> memref<1x32x128xf32, #tpu.memory_space<vmem>>
      %dma_wait3A_1028 = tpu.memref_squeeze %dma_wait3A_1027 : memref<1x32x128xf32, #tpu.memory_space<vmem>> -> memref<32x128xf32, #tpu.memory_space<vmem>>
      %dma_wait3A_1029 = arith.constant 0 : i32
      %dma_wait3A_1030 = arith.constant 0 : i32
      %dma_wait3A_1031 = tpu.memref_slice %arg4[%dma_wait3A_1029, %dma_wait3A_1030] : memref<32x1000000xf32, #tpu.memory_space<hbm>> -> memref<32x128xf32, #tpu.memory_space<hbm>>
      %dma_wait3A_1032 = arith.constant 0 : i32
      %dma_wait3A_1033 = arith.constant 0 : i32
      %dma_wait3A_1034 = tpu.memref_slice %arg11[%dma_wait3A_1024, %dma_wait3A_1032, %dma_wait3A_1033] : memref<4x32x128xf32, #tpu.memory_space<vmem>> -> memref<1x32x128xf32, #tpu.memory_space<vmem>>
      %dma_wait3A_1035 = tpu.memref_squeeze %dma_wait3A_1034 : memref<1x32x128xf32, #tpu.memory_space<vmem>> -> memref<32x128xf32, #tpu.memory_space<vmem>>
      %dma_wait3A_1036 = arith.constant 0 : i32
      %dma_wait3A_1037 = arith.constant 0 : i32
      %dma_wait3A_1038 = tpu.memref_slice %arg4[%dma_wait3A_1036, %dma_wait3A_1037] : memref<32x1000000xf32, #tpu.memory_space<hbm>> -> memref<32x128xf32, #tpu.memory_space<hbm>>
      tpu.wait_dma2 semaphore(%arg15 : memref<!tpu.dma_semaphore, #tpu.memory_space<semaphore_mem>>) src(%dma_wait3A_1038 : memref<32x128xf32, #tpu.memory_space<hbm>>) dst(%dma_wait3A_1035 : memref<32x128xf32, #tpu.memory_space<vmem>>)
      %dma_wait3A_1039 = arith.constant 2 : i32
      %dma_wait3A_1040 = arith.constant 0 : i32
      %dma_wait3A_1041 = arith.constant 0 : i32
      %dma_wait3A_1042 = tpu.memref_slice %arg12[%dma_wait3A_1039, %dma_wait3A_1040, %dma_wait3A_1041] : memref<4x32x128xf32, #tpu.memory_space<vmem>> -> memref<1x32x128xf32, #tpu.memory_space<vmem>>
      %dma_wait3A_1043 = tpu.memref_squeeze %dma_wait3A_1042 : memref<1x32x128xf32, #tpu.memory_space<vmem>> -> memref<32x128xf32, #tpu.memory_space<vmem>>
      %dma_wait3A_1044 = arith.constant 0 : i32
      %dma_wait3A_1045 = arith.constant 0 : i32
      %dma_wait3A_1046 = tpu.memref_slice %arg5[%dma_wait3A_1044, %dma_wait3A_1045] : memref<32x1000000xf32, #tpu.memory_space<hbm>> -> memref<32x128xf32, #tpu.memory_space<hbm>>
      %dma_wait3A_1047 = arith.constant 0 : i32
      %dma_wait3A_1048 = arith.constant 0 : i32
      %dma_wait3A_1049 = tpu.memref_slice %arg12[%dma_wait3A_1039, %dma_wait3A_1047, %dma_wait3A_1048] : memref<4x32x128xf32, #tpu.memory_space<vmem>> -> memref<1x32x128xf32, #tpu.memory_space<vmem>>
      %dma_wait3A_1050 = tpu.memref_squeeze %dma_wait3A_1049 : memref<1x32x128xf32, #tpu.memory_space<vmem>> -> memref<32x128xf32, #tpu.memory_space<vmem>>
      %dma_wait3A_1051 = arith.constant 0 : i32
      %dma_wait3A_1052 = arith.constant 0 : i32
      %dma_wait3A_1053 = tpu.memref_slice %arg5[%dma_wait3A_1051, %dma_wait3A_1052] : memref<32x1000000xf32, #tpu.memory_space<hbm>> -> memref<32x128xf32, #tpu.memory_space<hbm>>
      tpu.wait_dma2 semaphore(%arg15 : memref<!tpu.dma_semaphore, #tpu.memory_space<semaphore_mem>>) src(%dma_wait3A_1053 : memref<32x128xf32, #tpu.memory_space<hbm>>) dst(%dma_wait3A_1050 : memref<32x128xf32, #tpu.memory_space<vmem>>)
      %dma_wait3A_1054 = arith.constant 3 : i32
      %dma_wait3A_1055 = arith.constant 0 : i32
      %dma_wait3A_1056 = arith.constant 0 : i32
      %dma_wait3A_1057 = tpu.memref_slice %arg11[%dma_wait3A_1054, %dma_wait3A_1055, %dma_wait3A_1056] : memref<4x32x128xf32, #tpu.memory_space<vmem>> -> memref<1x32x128xf32, #tpu.memory_space<vmem>>
      %dma_wait3A_1058 = tpu.memref_squeeze %dma_wait3A_1057 : memref<1x32x128xf32, #tpu.memory_space<vmem>> -> memref<32x128xf32, #tpu.memory_space<vmem>>
      %dma_wait3A_1059 = arith.constant 0 : i32
      %dma_wait3A_1060 = arith.constant 0 : i32
      %dma_wait3A_1061 = tpu.memref_slice %arg4[%dma_wait3A_1059, %dma_wait3A_1060] : memref<32x1000000xf32, #tpu.memory_space<hbm>> -> memref<32x128xf32, #tpu.memory_space<hbm>>
      %dma_wait3A_1062 = arith.constant 0 : i32
      %dma_wait3A_1063 = arith.constant 0 : i32
      %dma_wait3A_1064 = tpu.memref_slice %arg11[%dma_wait3A_1054, %dma_wait3A_1062, %dma_wait3A_1063] : memref<4x32x128xf32, #tpu.memory_space<vmem>> -> memref<1x32x128xf32, #tpu.memory_space<vmem>>
      %dma_wait3A_1065 = tpu.memref_squeeze %dma_wait3A_1064 : memref<1x32x128xf32, #tpu.memory_space<vmem>> -> memref<32x128xf32, #tpu.memory_space<vmem>>
      %dma_wait3A_1066 = arith.constant 0 : i32
      %dma_wait3A_1067 = arith.constant 0 : i32
      %dma_wait3A_1068 = tpu.memref_slice %arg4[%dma_wait3A_1066, %dma_wait3A_1067] : memref<32x1000000xf32, #tpu.memory_space<hbm>> -> memref<32x128xf32, #tpu.memory_space<hbm>>
      tpu.wait_dma2 semaphore(%arg15 : memref<!tpu.dma_semaphore, #tpu.memory_space<semaphore_mem>>) src(%dma_wait3A_1068 : memref<32x128xf32, #tpu.memory_space<hbm>>) dst(%dma_wait3A_1065 : memref<32x128xf32, #tpu.memory_space<vmem>>)
      %dma_wait3A_1069 = arith.constant 3 : i32
      %dma_wait3A_1070 = arith.constant 0 : i32
      %dma_wait3A_1071 = arith.constant 0 : i32
      %dma_wait3A_1072 = tpu.memref_slice %arg12[%dma_wait3A_1069, %dma_wait3A_1070, %dma_wait3A_1071] : memref<4x32x128xf32, #tpu.memory_space<vmem>> -> memref<1x32x128xf32, #tpu.memory_space<vmem>>
      %dma_wait3A_1073 = tpu.memref_squeeze %dma_wait3A_1072 : memref<1x32x128xf32, #tpu.memory_space<vmem>> -> memref<32x128xf32, #tpu.memory_space<vmem>>
      %dma_wait3A_1074 = arith.constant 0 : i32
      %dma_wait3A_1075 = arith.constant 0 : i32
      %dma_wait3A_1076 = tpu.memref_slice %arg5[%dma_wait3A_1074, %dma_wait3A_1075] : memref<32x1000000xf32, #tpu.memory_space<hbm>> -> memref<32x128xf32, #tpu.memory_space<hbm>>
      %dma_wait3A_1077 = arith.constant 0 : i32
      %dma_wait3A_1078 = arith.constant 0 : i32
      %dma_wait3A_1079 = tpu.memref_slice %arg12[%dma_wait3A_1069, %dma_wait3A_1077, %dma_wait3A_1078] : memref<4x32x128xf32, #tpu.memory_space<vmem>> -> memref<1x32x128xf32, #tpu.memory_space<vmem>>
      %dma_wait3A_1080 = tpu.memref_squeeze %dma_wait3A_1079 : memref<1x32x128xf32, #tpu.memory_space<vmem>> -> memref<32x128xf32, #tpu.memory_space<vmem>>
      %dma_wait3A_1081 = arith.constant 0 : i32
      %dma_wait3A_1082 = arith.constant 0 : i32
      %dma_wait3A_1083 = tpu.memref_slice %arg5[%dma_wait3A_1081, %dma_wait3A_1082] : memref<32x1000000xf32, #tpu.memory_space<hbm>> -> memref<32x128xf32, #tpu.memory_space<hbm>>
      tpu.wait_dma2 semaphore(%arg15 : memref<!tpu.dma_semaphore, #tpu.memory_space<semaphore_mem>>) src(%dma_wait3A_1083 : memref<32x128xf32, #tpu.memory_space<hbm>>) dst(%dma_wait3A_1080 : memref<32x128xf32, #tpu.memory_space<vmem>>)
      %mul3A_1084 = arith.constant 4 : i32
      %mul3A_1085 = arith.muli %add3A_295, %mul3A_1084 : i32
      %get3A_1086 = arith.index_cast %mul3A_1085 : i32 to index
      %get3A_1087 = tpu.vector_load %arg7[%get3A_1086] {strides = array<i32>} : memref<528xi32, #tpu.memory_space<vmem>>, vector<16xi32>,
      %mul3A_1088 = arith.constant 4 : i32
      %mul3A_1089 = arith.muli %add3A_295, %mul3A_1088 : i32
      %get3A_1090 = arith.index_cast %mul3A_1089 : i32 to index
      %get3A_1091 = tpu.vector_load %arg8[%get3A_1090] {strides = array<i32>} : memref<528xi32, #tpu.memory_space<vmem>>, vector<16xi32>,
      %and3A_1092 = arith.constant 127 : i32
      %and3A_1093 = vector.broadcast %and3A_1092 : i32 to vector<16xi32>
      %and3A_1094 = arith.andi %get3A_1087, %and3A_1093 : vector<16xi32>
      %and3A_1095 = arith.constant 127 : i32
      %and3A_1096 = vector.broadcast %and3A_1095 : i32 to vector<16xi32>
      %and3A_1097 = arith.andi %get3A_1091, %and3A_1096 : vector<16xi32>
      %broadcast_in_dim3A_1098 = arith.constant 0.000000e+00 : f32
      %broadcast_in_dim3A_1099 = vector.broadcast %broadcast_in_dim3A_1098 : f32 to vector<16xf32>
      %broadcast_in_dim3A_1100 = arith.constant 0 : i32
      %broadcast_in_dim3A_1101 = vector.broadcast %broadcast_in_dim3A_1100 : i32 to vector<16xi32>
      %gather3A_1102 = tpu.vector_load_idx %arg11[%and3A_4, %broadcast_in_dim3A_1101, %and3A_1094] : memref<4x32x128xf32, #tpu.memory_space<vmem>>[vector<16xi32>, vector<16xi32>, vector<16xi32>], vector<16xf32>,
      %gather3A_1103 = tpu.vector_load_idx %arg12[%and3A_4, %broadcast_in_dim3A_1101, %and3A_1097] : memref<4x32x128xf32, #tpu.memory_space<vmem>>[vector<16xi32>, vector<16xi32>, vector<16xi32>], vector<16xf32>,
      %mul3A_1104 = arith.mulf %gather3A_1102, %gather3A_1103 : vector<16xf32>
      %add3A_1105 = arith.addf %broadcast_in_dim3A_1099, %mul3A_1104 : vector<16xf32>
      %broadcast_in_dim3A_1106 = arith.constant 1 : i32
      %broadcast_in_dim3A_1107 = vector.broadcast %broadcast_in_dim3A_1106 : i32 to vector<16xi32>
      %gather3A_1108 = tpu.vector_load_idx %arg11[%and3A_4, %broadcast_in_dim3A_1107, %and3A_1094] : memref<4x32x128xf32, #tpu.memory_space<vmem>>[vector<16xi32>, vector<16xi32>, vector<16xi32>], vector<16xf32>,
      %gather3A_1109 = tpu.vector_load_idx %arg12[%and3A_4, %broadcast_in_dim3A_1107, %and3A_1097] : memref<4x32x128xf32, #tpu.memory_space<vmem>>[vector<16xi32>, vector<16xi32>, vector<16xi32>], vector<16xf32>,
      %mul3A_1110 = arith.mulf %gather3A_1108, %gather3A_1109 : vector<16xf32>
      %add3A_1111 = arith.addf %add3A_1105, %mul3A_1110 : vector<16xf32>
      %broadcast_in_dim3A_1112 = arith.constant 2 : i32
      %broadcast_in_dim3A_1113 = vector.broadcast %broadcast_in_dim3A_1112 : i32 to vector<16xi32>
      %gather3A_1114 = tpu.vector_load_idx %arg11[%and3A_4, %broadcast_in_dim3A_1113, %and3A_1094] : memref<4x32x128xf32, #tpu.memory_space<vmem>>[vector<16xi32>, vector<16xi32>, vector<16xi32>], vector<16xf32>,
      %gather3A_1115 = tpu.vector_load_idx %arg12[%and3A_4, %broadcast_in_dim3A_1113, %and3A_1097] : memref<4x32x128xf32, #tpu.memory_space<vmem>>[vector<16xi32>, vector<16xi32>, vector<16xi32>], vector<16xf32>,
      %mul3A_1116 = arith.mulf %gather3A_1114, %gather3A_1115 : vector<16xf32>
      %add3A_1117 = arith.addf %add3A_1111, %mul3A_1116 : vector<16xf32>
      %broadcast_in_dim3A_1118 = arith.constant 3 : i32
      %broadcast_in_dim3A_1119 = vector.broadcast %broadcast_in_dim3A_1118 : i32 to vector<16xi32>
      %gather3A_1120 = tpu.vector_load_idx %arg11[%and3A_4, %broadcast_in_dim3A_1119, %and3A_1094] : memref<4x32x128xf32, #tpu.memory_space<vmem>>[vector<16xi32>, vector<16xi32>, vector<16xi32>], vector<16xf32>,
      %gather3A_1121 = tpu.vector_load_idx %arg12[%and3A_4, %broadcast_in_dim3A_1119, %and3A_1097] : memref<4x32x128xf32, #tpu.memory_space<vmem>>[vector<16xi32>, vector<16xi32>, vector<16xi32>], vector<16xf32>,
      %mul3A_1122 = arith.mulf %gather3A_1120, %gather3A_1121 : vector<16xf32>
      %add3A_1123 = arith.addf %add3A_1117, %mul3A_1122 : vector<16xf32>
      %broadcast_in_dim3A_1124 = arith.constant 4 : i32
      %broadcast_in_dim3A_1125 = vector.broadcast %broadcast_in_dim3A_1124 : i32 to vector<16xi32>
      %gather3A_1126 = tpu.vector_load_idx %arg11[%and3A_4, %broadcast_in_dim3A_1125, %and3A_1094] : memref<4x32x128xf32, #tpu.memory_space<vmem>>[vector<16xi32>, vector<16xi32>, vector<16xi32>], vector<16xf32>,
      %gather3A_1127 = tpu.vector_load_idx %arg12[%and3A_4, %broadcast_in_dim3A_1125, %and3A_1097] : memref<4x32x128xf32, #tpu.memory_space<vmem>>[vector<16xi32>, vector<16xi32>, vector<16xi32>], vector<16xf32>,
      %mul3A_1128 = arith.mulf %gather3A_1126, %gather3A_1127 : vector<16xf32>
      %add3A_1129 = arith.addf %add3A_1123, %mul3A_1128 : vector<16xf32>
      %broadcast_in_dim3A_1130 = arith.constant 5 : i32
      %broadcast_in_dim3A_1131 = vector.broadcast %broadcast_in_dim3A_1130 : i32 to vector<16xi32>
      %gather3A_1132 = tpu.vector_load_idx %arg11[%and3A_4, %broadcast_in_dim3A_1131, %and3A_1094] : memref<4x32x128xf32, #tpu.memory_space<vmem>>[vector<16xi32>, vector<16xi32>, vector<16xi32>], vector<16xf32>,
      %gather3A_1133 = tpu.vector_load_idx %arg12[%and3A_4, %broadcast_in_dim3A_1131, %and3A_1097] : memref<4x32x128xf32, #tpu.memory_space<vmem>>[vector<16xi32>, vector<16xi32>, vector<16xi32>], vector<16xf32>,
      %mul3A_1134 = arith.mulf %gather3A_1132, %gather3A_1133 : vector<16xf32>
      %add3A_1135 = arith.addf %add3A_1129, %mul3A_1134 : vector<16xf32>
      %broadcast_in_dim3A_1136 = arith.constant 6 : i32
      %broadcast_in_dim3A_1137 = vector.broadcast %broadcast_in_dim3A_1136 : i32 to vector<16xi32>
      %gather3A_1138 = tpu.vector_load_idx %arg11[%and3A_4, %broadcast_in_dim3A_1137, %and3A_1094] : memref<4x32x128xf32, #tpu.memory_space<vmem>>[vector<16xi32>, vector<16xi32>, vector<16xi32>], vector<16xf32>,
      %gather3A_1139 = tpu.vector_load_idx %arg12[%and3A_4, %broadcast_in_dim3A_1137, %and3A_1097] : memref<4x32x128xf32, #tpu.memory_space<vmem>>[vector<16xi32>, vector<16xi32>, vector<16xi32>], vector<16xf32>,
      %mul3A_1140 = arith.mulf %gather3A_1138, %gather3A_1139 : vector<16xf32>
      %add3A_1141 = arith.addf %add3A_1135, %mul3A_1140 : vector<16xf32>
      %broadcast_in_dim3A_1142 = arith.constant 7 : i32
      %broadcast_in_dim3A_1143 = vector.broadcast %broadcast_in_dim3A_1142 : i32 to vector<16xi32>
      %gather3A_1144 = tpu.vector_load_idx %arg11[%and3A_4, %broadcast_in_dim3A_1143, %and3A_1094] : memref<4x32x128xf32, #tpu.memory_space<vmem>>[vector<16xi32>, vector<16xi32>, vector<16xi32>], vector<16xf32>,
      %gather3A_1145 = tpu.vector_load_idx %arg12[%and3A_4, %broadcast_in_dim3A_1143, %and3A_1097] : memref<4x32x128xf32, #tpu.memory_space<vmem>>[vector<16xi32>, vector<16xi32>, vector<16xi32>], vector<16xf32>,
      %mul3A_1146 = arith.mulf %gather3A_1144, %gather3A_1145 : vector<16xf32>
      %add3A_1147 = arith.addf %add3A_1141, %mul3A_1146 : vector<16xf32>
      %broadcast_in_dim3A_1148 = arith.constant 8 : i32
      %broadcast_in_dim3A_1149 = vector.broadcast %broadcast_in_dim3A_1148 : i32 to vector<16xi32>
      %gather3A_1150 = tpu.vector_load_idx %arg11[%and3A_4, %broadcast_in_dim3A_1149, %and3A_1094] : memref<4x32x128xf32, #tpu.memory_space<vmem>>[vector<16xi32>, vector<16xi32>, vector<16xi32>], vector<16xf32>,
      %gather3A_1151 = tpu.vector_load_idx %arg12[%and3A_4, %broadcast_in_dim3A_1149, %and3A_1097] : memref<4x32x128xf32, #tpu.memory_space<vmem>>[vector<16xi32>, vector<16xi32>, vector<16xi32>], vector<16xf32>,
      %mul3A_1152 = arith.mulf %gather3A_1150, %gather3A_1151 : vector<16xf32>
      %add3A_1153 = arith.addf %add3A_1147, %mul3A_1152 : vector<16xf32>
      %broadcast_in_dim3A_1154 = arith.constant 9 : i32
      %broadcast_in_dim3A_1155 = vector.broadcast %broadcast_in_dim3A_1154 : i32 to vector<16xi32>
      %gather3A_1156 = tpu.vector_load_idx %arg11[%and3A_4, %broadcast_in_dim3A_1155, %and3A_1094] : memref<4x32x128xf32, #tpu.memory_space<vmem>>[vector<16xi32>, vector<16xi32>, vector<16xi32>], vector<16xf32>,
      %gather3A_1157 = tpu.vector_load_idx %arg12[%and3A_4, %broadcast_in_dim3A_1155, %and3A_1097] : memref<4x32x128xf32, #tpu.memory_space<vmem>>[vector<16xi32>, vector<16xi32>, vector<16xi32>], vector<16xf32>,
      %mul3A_1158 = arith.mulf %gather3A_1156, %gather3A_1157 : vector<16xf32>
      %add3A_1159 = arith.addf %add3A_1153, %mul3A_1158 : vector<16xf32>
      %broadcast_in_dim3A_1160 = arith.constant 10 : i32
      %broadcast_in_dim3A_1161 = vector.broadcast %broadcast_in_dim3A_1160 : i32 to vector<16xi32>
      %gather3A_1162 = tpu.vector_load_idx %arg11[%and3A_4, %broadcast_in_dim3A_1161, %and3A_1094] : memref<4x32x128xf32, #tpu.memory_space<vmem>>[vector<16xi32>, vector<16xi32>, vector<16xi32>], vector<16xf32>,
      %gather3A_1163 = tpu.vector_load_idx %arg12[%and3A_4, %broadcast_in_dim3A_1161, %and3A_1097] : memref<4x32x128xf32, #tpu.memory_space<vmem>>[vector<16xi32>, vector<16xi32>, vector<16xi32>], vector<16xf32>,
      %mul3A_1164 = arith.mulf %gather3A_1162, %gather3A_1163 : vector<16xf32>
      %add3A_1165 = arith.addf %add3A_1159, %mul3A_1164 : vector<16xf32>
      %broadcast_in_dim3A_1166 = arith.constant 11 : i32
      %broadcast_in_dim3A_1167 = vector.broadcast %broadcast_in_dim3A_1166 : i32 to vector<16xi32>
      %gather3A_1168 = tpu.vector_load_idx %arg11[%and3A_4, %broadcast_in_dim3A_1167, %and3A_1094] : memref<4x32x128xf32, #tpu.memory_space<vmem>>[vector<16xi32>, vector<16xi32>, vector<16xi32>], vector<16xf32>,
      %gather3A_1169 = tpu.vector_load_idx %arg12[%and3A_4, %broadcast_in_dim3A_1167, %and3A_1097] : memref<4x32x128xf32, #tpu.memory_space<vmem>>[vector<16xi32>, vector<16xi32>, vector<16xi32>], vector<16xf32>,
      %mul3A_1170 = arith.mulf %gather3A_1168, %gather3A_1169 : vector<16xf32>
      %add3A_1171 = arith.addf %add3A_1165, %mul3A_1170 : vector<16xf32>
      %broadcast_in_dim3A_1172 = arith.constant 12 : i32
      %broadcast_in_dim3A_1173 = vector.broadcast %broadcast_in_dim3A_1172 : i32 to vector<16xi32>
      %gather3A_1174 = tpu.vector_load_idx %arg11[%and3A_4, %broadcast_in_dim3A_1173, %and3A_1094] : memref<4x32x128xf32, #tpu.memory_space<vmem>>[vector<16xi32>, vector<16xi32>, vector<16xi32>], vector<16xf32>,
      %gather3A_1175 = tpu.vector_load_idx %arg12[%and3A_4, %broadcast_in_dim3A_1173, %and3A_1097] : memref<4x32x128xf32, #tpu.memory_space<vmem>>[vector<16xi32>, vector<16xi32>, vector<16xi32>], vector<16xf32>,
      %mul3A_1176 = arith.mulf %gather3A_1174, %gather3A_1175 : vector<16xf32>
      %add3A_1177 = arith.addf %add3A_1171, %mul3A_1176 : vector<16xf32>
      %broadcast_in_dim3A_1178 = arith.constant 13 : i32
      %broadcast_in_dim3A_1179 = vector.broadcast %broadcast_in_dim3A_1178 : i32 to vector<16xi32>
      %gather3A_1180 = tpu.vector_load_idx %arg11[%and3A_4, %broadcast_in_dim3A_1179, %and3A_1094] : memref<4x32x128xf32, #tpu.memory_space<vmem>>[vector<16xi32>, vector<16xi32>, vector<16xi32>], vector<16xf32>,
      %gather3A_1181 = tpu.vector_load_idx %arg12[%and3A_4, %broadcast_in_dim3A_1179, %and3A_1097] : memref<4x32x128xf32, #tpu.memory_space<vmem>>[vector<16xi32>, vector<16xi32>, vector<16xi32>], vector<16xf32>,
      %mul3A_1182 = arith.mulf %gather3A_1180, %gather3A_1181 : vector<16xf32>
      %add3A_1183 = arith.addf %add3A_1177, %mul3A_1182 : vector<16xf32>
      %broadcast_in_dim3A_1184 = arith.constant 14 : i32
      %broadcast_in_dim3A_1185 = vector.broadcast %broadcast_in_dim3A_1184 : i32 to vector<16xi32>
      %gather3A_1186 = tpu.vector_load_idx %arg11[%and3A_4, %broadcast_in_dim3A_1185, %and3A_1094] : memref<4x32x128xf32, #tpu.memory_space<vmem>>[vector<16xi32>, vector<16xi32>, vector<16xi32>], vector<16xf32>,
      %gather3A_1187 = tpu.vector_load_idx %arg12[%and3A_4, %broadcast_in_dim3A_1185, %and3A_1097] : memref<4x32x128xf32, #tpu.memory_space<vmem>>[vector<16xi32>, vector<16xi32>, vector<16xi32>], vector<16xf32>,
      %mul3A_1188 = arith.mulf %gather3A_1186, %gather3A_1187 : vector<16xf32>
      %add3A_1189 = arith.addf %add3A_1183, %mul3A_1188 : vector<16xf32>
      %broadcast_in_dim3A_1190 = arith.constant 15 : i32
      %broadcast_in_dim3A_1191 = vector.broadcast %broadcast_in_dim3A_1190 : i32 to vector<16xi32>
      %gather3A_1192 = tpu.vector_load_idx %arg11[%and3A_4, %broadcast_in_dim3A_1191, %and3A_1094] : memref<4x32x128xf32, #tpu.memory_space<vmem>>[vector<16xi32>, vector<16xi32>, vector<16xi32>], vector<16xf32>,
      %gather3A_1193 = tpu.vector_load_idx %arg12[%and3A_4, %broadcast_in_dim3A_1191, %and3A_1097] : memref<4x32x128xf32, #tpu.memory_space<vmem>>[vector<16xi32>, vector<16xi32>, vector<16xi32>], vector<16xf32>,
      %mul3A_1194 = arith.mulf %gather3A_1192, %gather3A_1193 : vector<16xf32>
      %add3A_1195 = arith.addf %add3A_1189, %mul3A_1194 : vector<16xf32>
      %broadcast_in_dim3A_1196 = arith.constant 16 : i32
      %broadcast_in_dim3A_1197 = vector.broadcast %broadcast_in_dim3A_1196 : i32 to vector<16xi32>
      %gather3A_1198 = tpu.vector_load_idx %arg11[%and3A_4, %broadcast_in_dim3A_1197, %and3A_1094] : memref<4x32x128xf32, #tpu.memory_space<vmem>>[vector<16xi32>, vector<16xi32>, vector<16xi32>], vector<16xf32>,
      %gather3A_1199 = tpu.vector_load_idx %arg12[%and3A_4, %broadcast_in_dim3A_1197, %and3A_1097] : memref<4x32x128xf32, #tpu.memory_space<vmem>>[vector<16xi32>, vector<16xi32>, vector<16xi32>], vector<16xf32>,
      %mul3A_1200 = arith.mulf %gather3A_1198, %gather3A_1199 : vector<16xf32>
      %add3A_1201 = arith.addf %add3A_1195, %mul3A_1200 : vector<16xf32>
      %broadcast_in_dim3A_1202 = arith.constant 17 : i32
      %broadcast_in_dim3A_1203 = vector.broadcast %broadcast_in_dim3A_1202 : i32 to vector<16xi32>
      %gather3A_1204 = tpu.vector_load_idx %arg11[%and3A_4, %broadcast_in_dim3A_1203, %and3A_1094] : memref<4x32x128xf32, #tpu.memory_space<vmem>>[vector<16xi32>, vector<16xi32>, vector<16xi32>], vector<16xf32>,
      %gather3A_1205 = tpu.vector_load_idx %arg12[%and3A_4, %broadcast_in_dim3A_1203, %and3A_1097] : memref<4x32x128xf32, #tpu.memory_space<vmem>>[vector<16xi32>, vector<16xi32>, vector<16xi32>], vector<16xf32>,
      %mul3A_1206 = arith.mulf %gather3A_1204, %gather3A_1205 : vector<16xf32>
      %add3A_1207 = arith.addf %add3A_1201, %mul3A_1206 : vector<16xf32>
      %broadcast_in_dim3A_1208 = arith.constant 18 : i32
      %broadcast_in_dim3A_1209 = vector.broadcast %broadcast_in_dim3A_1208 : i32 to vector<16xi32>
      %gather3A_1210 = tpu.vector_load_idx %arg11[%and3A_4, %broadcast_in_dim3A_1209, %and3A_1094] : memref<4x32x128xf32, #tpu.memory_space<vmem>>[vector<16xi32>, vector<16xi32>, vector<16xi32>], vector<16xf32>,
      %gather3A_1211 = tpu.vector_load_idx %arg12[%and3A_4, %broadcast_in_dim3A_1209, %and3A_1097] : memref<4x32x128xf32, #tpu.memory_space<vmem>>[vector<16xi32>, vector<16xi32>, vector<16xi32>], vector<16xf32>,
      %mul3A_1212 = arith.mulf %gather3A_1210, %gather3A_1211 : vector<16xf32>
      %add3A_1213 = arith.addf %add3A_1207, %mul3A_1212 : vector<16xf32>
      %broadcast_in_dim3A_1214 = arith.constant 19 : i32
      %broadcast_in_dim3A_1215 = vector.broadcast %broadcast_in_dim3A_1214 : i32 to vector<16xi32>
      %gather3A_1216 = tpu.vector_load_idx %arg11[%and3A_4, %broadcast_in_dim3A_1215, %and3A_1094] : memref<4x32x128xf32, #tpu.memory_space<vmem>>[vector<16xi32>, vector<16xi32>, vector<16xi32>], vector<16xf32>,
      %gather3A_1217 = tpu.vector_load_idx %arg12[%and3A_4, %broadcast_in_dim3A_1215, %and3A_1097] : memref<4x32x128xf32, #tpu.memory_space<vmem>>[vector<16xi32>, vector<16xi32>, vector<16xi32>], vector<16xf32>,
      %mul3A_1218 = arith.mulf %gather3A_1216, %gather3A_1217 : vector<16xf32>
      %add3A_1219 = arith.addf %add3A_1213, %mul3A_1218 : vector<16xf32>
      %broadcast_in_dim3A_1220 = arith.constant 20 : i32
      %broadcast_in_dim3A_1221 = vector.broadcast %broadcast_in_dim3A_1220 : i32 to vector<16xi32>
      %gather3A_1222 = tpu.vector_load_idx %arg11[%and3A_4, %broadcast_in_dim3A_1221, %and3A_1094] : memref<4x32x128xf32, #tpu.memory_space<vmem>>[vector<16xi32>, vector<16xi32>, vector<16xi32>], vector<16xf32>,
      %gather3A_1223 = tpu.vector_load_idx %arg12[%and3A_4, %broadcast_in_dim3A_1221, %and3A_1097] : memref<4x32x128xf32, #tpu.memory_space<vmem>>[vector<16xi32>, vector<16xi32>, vector<16xi32>], vector<16xf32>,
      %mul3A_1224 = arith.mulf %gather3A_1222, %gather3A_1223 : vector<16xf32>
      %add3A_1225 = arith.addf %add3A_1219, %mul3A_1224 : vector<16xf32>
      %broadcast_in_dim3A_1226 = arith.constant 21 : i32
      %broadcast_in_dim3A_1227 = vector.broadcast %broadcast_in_dim3A_1226 : i32 to vector<16xi32>
      %gather3A_1228 = tpu.vector_load_idx %arg11[%and3A_4, %broadcast_in_dim3A_1227, %and3A_1094] : memref<4x32x128xf32, #tpu.memory_space<vmem>>[vector<16xi32>, vector<16xi32>, vector<16xi32>], vector<16xf32>,
      %gather3A_1229 = tpu.vector_load_idx %arg12[%and3A_4, %broadcast_in_dim3A_1227, %and3A_1097] : memref<4x32x128xf32, #tpu.memory_space<vmem>>[vector<16xi32>, vector<16xi32>, vector<16xi32>], vector<16xf32>,
      %mul3A_1230 = arith.mulf %gather3A_1228, %gather3A_1229 : vector<16xf32>
      %add3A_1231 = arith.addf %add3A_1225, %mul3A_1230 : vector<16xf32>
      %broadcast_in_dim3A_1232 = arith.constant 22 : i32
      %broadcast_in_dim3A_1233 = vector.broadcast %broadcast_in_dim3A_1232 : i32 to vector<16xi32>
      %gather3A_1234 = tpu.vector_load_idx %arg11[%and3A_4, %broadcast_in_dim3A_1233, %and3A_1094] : memref<4x32x128xf32, #tpu.memory_space<vmem>>[vector<16xi32>, vector<16xi32>, vector<16xi32>], vector<16xf32>,
      %gather3A_1235 = tpu.vector_load_idx %arg12[%and3A_4, %broadcast_in_dim3A_1233, %and3A_1097] : memref<4x32x128xf32, #tpu.memory_space<vmem>>[vector<16xi32>, vector<16xi32>, vector<16xi32>], vector<16xf32>,
      %mul3A_1236 = arith.mulf %gather3A_1234, %gather3A_1235 : vector<16xf32>
      %add3A_1237 = arith.addf %add3A_1231, %mul3A_1236 : vector<16xf32>
      %broadcast_in_dim3A_1238 = arith.constant 23 : i32
      %broadcast_in_dim3A_1239 = vector.broadcast %broadcast_in_dim3A_1238 : i32 to vector<16xi32>
      %gather3A_1240 = tpu.vector_load_idx %arg11[%and3A_4, %broadcast_in_dim3A_1239, %and3A_1094] : memref<4x32x128xf32, #tpu.memory_space<vmem>>[vector<16xi32>, vector<16xi32>, vector<16xi32>], vector<16xf32>,
      %gather3A_1241 = tpu.vector_load_idx %arg12[%and3A_4, %broadcast_in_dim3A_1239, %and3A_1097] : memref<4x32x128xf32, #tpu.memory_space<vmem>>[vector<16xi32>, vector<16xi32>, vector<16xi32>], vector<16xf32>,
      %mul3A_1242 = arith.mulf %gather3A_1240, %gather3A_1241 : vector<16xf32>
      %add3A_1243 = arith.addf %add3A_1237, %mul3A_1242 : vector<16xf32>
      %broadcast_in_dim3A_1244 = arith.constant 24 : i32
      %broadcast_in_dim3A_1245 = vector.broadcast %broadcast_in_dim3A_1244 : i32 to vector<16xi32>
      %gather3A_1246 = tpu.vector_load_idx %arg11[%and3A_4, %broadcast_in_dim3A_1245, %and3A_1094] : memref<4x32x128xf32, #tpu.memory_space<vmem>>[vector<16xi32>, vector<16xi32>, vector<16xi32>], vector<16xf32>,
      %gather3A_1247 = tpu.vector_load_idx %arg12[%and3A_4, %broadcast_in_dim3A_1245, %and3A_1097] : memref<4x32x128xf32, #tpu.memory_space<vmem>>[vector<16xi32>, vector<16xi32>, vector<16xi32>], vector<16xf32>,
      %mul3A_1248 = arith.mulf %gather3A_1246, %gather3A_1247 : vector<16xf32>
      %add3A_1249 = arith.addf %add3A_1243, %mul3A_1248 : vector<16xf32>
      %broadcast_in_dim3A_1250 = arith.constant 25 : i32
      %broadcast_in_dim3A_1251 = vector.broadcast %broadcast_in_dim3A_1250 : i32 to vector<16xi32>
      %gather3A_1252 = tpu.vector_load_idx %arg11[%and3A_4, %broadcast_in_dim3A_1251, %and3A_1094] : memref<4x32x128xf32, #tpu.memory_space<vmem>>[vector<16xi32>, vector<16xi32>, vector<16xi32>], vector<16xf32>,
      %gather3A_1253 = tpu.vector_load_idx %arg12[%and3A_4, %broadcast_in_dim3A_1251, %and3A_1097] : memref<4x32x128xf32, #tpu.memory_space<vmem>>[vector<16xi32>, vector<16xi32>, vector<16xi32>], vector<16xf32>,
      %mul3A_1254 = arith.mulf %gather3A_1252, %gather3A_1253 : vector<16xf32>
      %add3A_1255 = arith.addf %add3A_1249, %mul3A_1254 : vector<16xf32>
      %broadcast_in_dim3A_1256 = arith.constant 26 : i32
      %broadcast_in_dim3A_1257 = vector.broadcast %broadcast_in_dim3A_1256 : i32 to vector<16xi32>
      %gather3A_1258 = tpu.vector_load_idx %arg11[%and3A_4, %broadcast_in_dim3A_1257, %and3A_1094] : memref<4x32x128xf32, #tpu.memory_space<vmem>>[vector<16xi32>, vector<16xi32>, vector<16xi32>], vector<16xf32>,
      %gather3A_1259 = tpu.vector_load_idx %arg12[%and3A_4, %broadcast_in_dim3A_1257, %and3A_1097] : memref<4x32x128xf32, #tpu.memory_space<vmem>>[vector<16xi32>, vector<16xi32>, vector<16xi32>], vector<16xf32>,
      %mul3A_1260 = arith.mulf %gather3A_1258, %gather3A_1259 : vector<16xf32>
      %add3A_1261 = arith.addf %add3A_1255, %mul3A_1260 : vector<16xf32>
      %broadcast_in_dim3A_1262 = arith.constant 27 : i32
      %broadcast_in_dim3A_1263 = vector.broadcast %broadcast_in_dim3A_1262 : i32 to vector<16xi32>
      %gather3A_1264 = tpu.vector_load_idx %arg11[%and3A_4, %broadcast_in_dim3A_1263, %and3A_1094] : memref<4x32x128xf32, #tpu.memory_space<vmem>>[vector<16xi32>, vector<16xi32>, vector<16xi32>], vector<16xf32>,
      %gather3A_1265 = tpu.vector_load_idx %arg12[%and3A_4, %broadcast_in_dim3A_1263, %and3A_1097] : memref<4x32x128xf32, #tpu.memory_space<vmem>>[vector<16xi32>, vector<16xi32>, vector<16xi32>], vector<16xf32>,
      %mul3A_1266 = arith.mulf %gather3A_1264, %gather3A_1265 : vector<16xf32>
      %add3A_1267 = arith.addf %add3A_1261, %mul3A_1266 : vector<16xf32>
      %broadcast_in_dim3A_1268 = arith.constant 28 : i32
      %broadcast_in_dim3A_1269 = vector.broadcast %broadcast_in_dim3A_1268 : i32 to vector<16xi32>
      %gather3A_1270 = tpu.vector_load_idx %arg11[%and3A_4, %broadcast_in_dim3A_1269, %and3A_1094] : memref<4x32x128xf32, #tpu.memory_space<vmem>>[vector<16xi32>, vector<16xi32>, vector<16xi32>], vector<16xf32>,
      %gather3A_1271 = tpu.vector_load_idx %arg12[%and3A_4, %broadcast_in_dim3A_1269, %and3A_1097] : memref<4x32x128xf32, #tpu.memory_space<vmem>>[vector<16xi32>, vector<16xi32>, vector<16xi32>], vector<16xf32>,
      %mul3A_1272 = arith.mulf %gather3A_1270, %gather3A_1271 : vector<16xf32>
      %add3A_1273 = arith.addf %add3A_1267, %mul3A_1272 : vector<16xf32>
      %broadcast_in_dim3A_1274 = arith.constant 29 : i32
      %broadcast_in_dim3A_1275 = vector.broadcast %broadcast_in_dim3A_1274 : i32 to vector<16xi32>
      %gather3A_1276 = tpu.vector_load_idx %arg11[%and3A_4, %broadcast_in_dim3A_1275, %and3A_1094] : memref<4x32x128xf32, #tpu.memory_space<vmem>>[vector<16xi32>, vector<16xi32>, vector<16xi32>], vector<16xf32>,
      %gather3A_1277 = tpu.vector_load_idx %arg12[%and3A_4, %broadcast_in_dim3A_1275, %and3A_1097] : memref<4x32x128xf32, #tpu.memory_space<vmem>>[vector<16xi32>, vector<16xi32>, vector<16xi32>], vector<16xf32>,
      %mul3A_1278 = arith.mulf %gather3A_1276, %gather3A_1277 : vector<16xf32>
      %add3A_1279 = arith.addf %add3A_1273, %mul3A_1278 : vector<16xf32>
      %broadcast_in_dim3A_1280 = arith.constant 30 : i32
      %broadcast_in_dim3A_1281 = vector.broadcast %broadcast_in_dim3A_1280 : i32 to vector<16xi32>
      %gather3A_1282 = tpu.vector_load_idx %arg11[%and3A_4, %broadcast_in_dim3A_1281, %and3A_1094] : memref<4x32x128xf32, #tpu.memory_space<vmem>>[vector<16xi32>, vector<16xi32>, vector<16xi32>], vector<16xf32>,
      %gather3A_1283 = tpu.vector_load_idx %arg12[%and3A_4, %broadcast_in_dim3A_1281, %and3A_1097] : memref<4x32x128xf32, #tpu.memory_space<vmem>>[vector<16xi32>, vector<16xi32>, vector<16xi32>], vector<16xf32>,
      %mul3A_1284 = arith.mulf %gather3A_1282, %gather3A_1283 : vector<16xf32>
      %add3A_1285 = arith.addf %add3A_1279, %mul3A_1284 : vector<16xf32>
      %broadcast_in_dim3A_1286 = arith.constant 31 : i32
      %broadcast_in_dim3A_1287 = vector.broadcast %broadcast_in_dim3A_1286 : i32 to vector<16xi32>
      %gather3A_1288 = tpu.vector_load_idx %arg11[%and3A_4, %broadcast_in_dim3A_1287, %and3A_1094] : memref<4x32x128xf32, #tpu.memory_space<vmem>>[vector<16xi32>, vector<16xi32>, vector<16xi32>], vector<16xf32>,
      %gather3A_1289 = tpu.vector_load_idx %arg12[%and3A_4, %broadcast_in_dim3A_1287, %and3A_1097] : memref<4x32x128xf32, #tpu.memory_space<vmem>>[vector<16xi32>, vector<16xi32>, vector<16xi32>], vector<16xf32>,
      %mul3A_1290 = arith.mulf %gather3A_1288, %gather3A_1289 : vector<16xf32>
      %add3A_1291 = arith.addf %add3A_1285, %mul3A_1290 : vector<16xf32>
      %mul3A_1292 = arith.constant 4 : i32
      %mul3A_1293 = arith.muli %add3A_295, %mul3A_1292 : i32
      %swap3A_1294 = arith.index_cast %mul3A_1293 : i32 to index
      %swap3A_1295 = tpu.vector_load %arg13[%swap3A_1294] masked %lt3A_6 {strides = array<i32>} : memref<528xf32, #tpu.memory_space<vmem>>, vector<16xf32>, vector<16xi1>
      tpu.vector_store %arg13[%swap3A_1294], %add3A_1291 masked %lt3A_6 {strides = array<i32>} : memref<528xf32, #tpu.memory_space<vmem>>, vector<16xf32>, vector<16xi1>
    }
    %scan3A_169 = arith.constant 64 : i32
    %dma_wait3A = arith.constant 0 : i32
    %dma_wait3A_170 = arith.constant 0 : i32
    %dma_wait3A_171 = arith.constant 0 : i32
    %dma_wait3A_172 = tpu.memref_slice %arg9[%dma_wait3A, %dma_wait3A_170, %dma_wait3A_171] : memref<4x32x128xf32, #tpu.memory_space<vmem>> -> memref<1x32x128xf32, #tpu.memory_space<vmem>>
    %dma_wait3A_173 = tpu.memref_squeeze %dma_wait3A_172 : memref<1x32x128xf32, #tpu.memory_space<vmem>> -> memref<32x128xf32, #tpu.memory_space<vmem>>
    %dma_wait3A_174 = arith.constant 0 : i32
    %dma_wait3A_175 = arith.constant 0 : i32
    %dma_wait3A_176 = tpu.memref_slice %arg4[%dma_wait3A_174, %dma_wait3A_175] : memref<32x1000000xf32, #tpu.memory_space<hbm>> -> memref<32x128xf32, #tpu.memory_space<hbm>>
    %dma_wait3A_177 = arith.constant 0 : i32
    %dma_wait3A_178 = arith.constant 0 : i32
    %dma_wait3A_179 = tpu.memref_slice %arg9[%dma_wait3A, %dma_wait3A_177, %dma_wait3A_178] : memref<4x32x128xf32, #tpu.memory_space<vmem>> -> memref<1x32x128xf32, #tpu.memory_space<vmem>>
    %dma_wait3A_180 = tpu.memref_squeeze %dma_wait3A_179 : memref<1x32x128xf32, #tpu.memory_space<vmem>> -> memref<32x128xf32, #tpu.memory_space<vmem>>
    %dma_wait3A_181 = arith.constant 0 : i32
    %dma_wait3A_182 = arith.constant 0 : i32
    %dma_wait3A_183 = tpu.memref_slice %arg4[%dma_wait3A_181, %dma_wait3A_182] : memref<32x1000000xf32, #tpu.memory_space<hbm>> -> memref<32x128xf32, #tpu.memory_space<hbm>>
    tpu.wait_dma2 semaphore(%arg14 : memref<!tpu.dma_semaphore, #tpu.memory_space<semaphore_mem>>) src(%dma_wait3A_183 : memref<32x128xf32, #tpu.memory_space<hbm>>) dst(%dma_wait3A_180 : memref<32x128xf32, #tpu.memory_space<vmem>>)
    %dma_wait3A_184 = arith.constant 0 : i32
    %dma_wait3A_185 = arith.constant 0 : i32
    %dma_wait3A_186 = arith.constant 0 : i32
    %dma_wait3A_187 = tpu.memref_slice %arg10[%dma_wait3A_184, %dma_wait3A_185, %dma_wait3A_186] : memref<4x32x128xf32, #tpu.memory_space<vmem>> -> memref<1x32x128xf32, #tpu.memory_space<vmem>>
    %dma_wait3A_188 = tpu.memref_squeeze %dma_wait3A_187 : memref<1x32x128xf32, #tpu.memory_space<vmem>> -> memref<32x128xf32, #tpu.memory_space<vmem>>
    %dma_wait3A_189 = arith.constant 0 : i32
    %dma_wait3A_190 = arith.constant 0 : i32
    %dma_wait3A_191 = tpu.memref_slice %arg5[%dma_wait3A_189, %dma_wait3A_190] : memref<32x1000000xf32, #tpu.memory_space<hbm>> -> memref<32x128xf32, #tpu.memory_space<hbm>>
    %dma_wait3A_192 = arith.constant 0 : i32
    %dma_wait3A_193 = arith.constant 0 : i32
    %dma_wait3A_194 = tpu.memref_slice %arg10[%dma_wait3A_184, %dma_wait3A_192, %dma_wait3A_193] : memref<4x32x128xf32, #tpu.memory_space<vmem>> -> memref<1x32x128xf32, #tpu.memory_space<vmem>>
    %dma_wait3A_195 = tpu.memref_squeeze %dma_wait3A_194 : memref<1x32x128xf32, #tpu.memory_space<vmem>> -> memref<32x128xf32, #tpu.memory_space<vmem>>
    %dma_wait3A_196 = arith.constant 0 : i32
    %dma_wait3A_197 = arith.constant 0 : i32
    %dma_wait3A_198 = tpu.memref_slice %arg5[%dma_wait3A_196, %dma_wait3A_197] : memref<32x1000000xf32, #tpu.memory_space<hbm>> -> memref<32x128xf32, #tpu.memory_space<hbm>>
    tpu.wait_dma2 semaphore(%arg14 : memref<!tpu.dma_semaphore, #tpu.memory_space<semaphore_mem>>) src(%dma_wait3A_198 : memref<32x128xf32, #tpu.memory_space<hbm>>) dst(%dma_wait3A_195 : memref<32x128xf32, #tpu.memory_space<vmem>>)
    %dma_wait3A_199 = arith.constant 1 : i32
    %dma_wait3A_200 = arith.constant 0 : i32
    %dma_wait3A_201 = arith.constant 0 : i32
    %dma_wait3A_202 = tpu.memref_slice %arg9[%dma_wait3A_199, %dma_wait3A_200, %dma_wait3A_201] : memref<4x32x128xf32, #tpu.memory_space<vmem>> -> memref<1x32x128xf32, #tpu.memory_space<vmem>>
    %dma_wait3A_203 = tpu.memref_squeeze %dma_wait3A_202 : memref<1x32x128xf32, #tpu.memory_space<vmem>> -> memref<32x128xf32, #tpu.memory_space<vmem>>
    %dma_wait3A_204 = arith.constant 0 : i32
    %dma_wait3A_205 = arith.constant 0 : i32
    %dma_wait3A_206 = tpu.memref_slice %arg4[%dma_wait3A_204, %dma_wait3A_205] : memref<32x1000000xf32, #tpu.memory_space<hbm>> -> memref<32x128xf32, #tpu.memory_space<hbm>>
    %dma_wait3A_207 = arith.constant 0 : i32
    %dma_wait3A_208 = arith.constant 0 : i32
    %dma_wait3A_209 = tpu.memref_slice %arg9[%dma_wait3A_199, %dma_wait3A_207, %dma_wait3A_208] : memref<4x32x128xf32, #tpu.memory_space<vmem>> -> memref<1x32x128xf32, #tpu.memory_space<vmem>>
    %dma_wait3A_210 = tpu.memref_squeeze %dma_wait3A_209 : memref<1x32x128xf32, #tpu.memory_space<vmem>> -> memref<32x128xf32, #tpu.memory_space<vmem>>
    %dma_wait3A_211 = arith.constant 0 : i32
    %dma_wait3A_212 = arith.constant 0 : i32
    %dma_wait3A_213 = tpu.memref_slice %arg4[%dma_wait3A_211, %dma_wait3A_212] : memref<32x1000000xf32, #tpu.memory_space<hbm>> -> memref<32x128xf32, #tpu.memory_space<hbm>>
    tpu.wait_dma2 semaphore(%arg14 : memref<!tpu.dma_semaphore, #tpu.memory_space<semaphore_mem>>) src(%dma_wait3A_213 : memref<32x128xf32, #tpu.memory_space<hbm>>) dst(%dma_wait3A_210 : memref<32x128xf32, #tpu.memory_space<vmem>>)
    %dma_wait3A_214 = arith.constant 1 : i32
    %dma_wait3A_215 = arith.constant 0 : i32
    %dma_wait3A_216 = arith.constant 0 : i32
    %dma_wait3A_217 = tpu.memref_slice %arg10[%dma_wait3A_214, %dma_wait3A_215, %dma_wait3A_216] : memref<4x32x128xf32, #tpu.memory_space<vmem>> -> memref<1x32x128xf32, #tpu.memory_space<vmem>>
    %dma_wait3A_218 = tpu.memref_squeeze %dma_wait3A_217 : memref<1x32x128xf32, #tpu.memory_space<vmem>> -> memref<32x128xf32, #tpu.memory_space<vmem>>
    %dma_wait3A_219 = arith.constant 0 : i32
    %dma_wait3A_220 = arith.constant 0 : i32
    %dma_wait3A_221 = tpu.memref_slice %arg5[%dma_wait3A_219, %dma_wait3A_220] : memref<32x1000000xf32, #tpu.memory_space<hbm>> -> memref<32x128xf32, #tpu.memory_space<hbm>>
    %dma_wait3A_222 = arith.constant 0 : i32
    %dma_wait3A_223 = arith.constant 0 : i32
    %dma_wait3A_224 = tpu.memref_slice %arg10[%dma_wait3A_214, %dma_wait3A_222, %dma_wait3A_223] : memref<4x32x128xf32, #tpu.memory_space<vmem>> -> memref<1x32x128xf32, #tpu.memory_space<vmem>>
    %dma_wait3A_225 = tpu.memref_squeeze %dma_wait3A_224 : memref<1x32x128xf32, #tpu.memory_space<vmem>> -> memref<32x128xf32, #tpu.memory_space<vmem>>
    %dma_wait3A_226 = arith.constant 0 : i32
    %dma_wait3A_227 = arith.constant 0 : i32
    %dma_wait3A_228 = tpu.memref_slice %arg5[%dma_wait3A_226, %dma_wait3A_227] : memref<32x1000000xf32, #tpu.memory_space<hbm>> -> memref<32x128xf32, #tpu.memory_space<hbm>>
    tpu.wait_dma2 semaphore(%arg14 : memref<!tpu.dma_semaphore, #tpu.memory_space<semaphore_mem>>) src(%dma_wait3A_228 : memref<32x128xf32, #tpu.memory_space<hbm>>) dst(%dma_wait3A_225 : memref<32x128xf32, #tpu.memory_space<vmem>>)
    %dma_wait3A_229 = arith.constant 2 : i32
    %dma_wait3A_230 = arith.constant 0 : i32
    %dma_wait3A_231 = arith.constant 0 : i32
    %dma_wait3A_232 = tpu.memref_slice %arg9[%dma_wait3A_229, %dma_wait3A_230, %dma_wait3A_231] : memref<4x32x128xf32, #tpu.memory_space<vmem>> -> memref<1x32x128xf32, #tpu.memory_space<vmem>>
    %dma_wait3A_233 = tpu.memref_squeeze %dma_wait3A_232 : memref<1x32x128xf32, #tpu.memory_space<vmem>> -> memref<32x128xf32, #tpu.memory_space<vmem>>
    %dma_wait3A_234 = arith.constant 0 : i32
    %dma_wait3A_235 = arith.constant 0 : i32
    %dma_wait3A_236 = tpu.memref_slice %arg4[%dma_wait3A_234, %dma_wait3A_235] : memref<32x1000000xf32, #tpu.memory_space<hbm>> -> memref<32x128xf32, #tpu.memory_space<hbm>>
    %dma_wait3A_237 = arith.constant 0 : i32
    %dma_wait3A_238 = arith.constant 0 : i32
    %dma_wait3A_239 = tpu.memref_slice %arg9[%dma_wait3A_229, %dma_wait3A_237, %dma_wait3A_238] : memref<4x32x128xf32, #tpu.memory_space<vmem>> -> memref<1x32x128xf32, #tpu.memory_space<vmem>>
    %dma_wait3A_240 = tpu.memref_squeeze %dma_wait3A_239 : memref<1x32x128xf32, #tpu.memory_space<vmem>> -> memref<32x128xf32, #tpu.memory_space<vmem>>
    %dma_wait3A_241 = arith.constant 0 : i32
    %dma_wait3A_242 = arith.constant 0 : i32
    %dma_wait3A_243 = tpu.memref_slice %arg4[%dma_wait3A_241, %dma_wait3A_242] : memref<32x1000000xf32, #tpu.memory_space<hbm>> -> memref<32x128xf32, #tpu.memory_space<hbm>>
    tpu.wait_dma2 semaphore(%arg14 : memref<!tpu.dma_semaphore, #tpu.memory_space<semaphore_mem>>) src(%dma_wait3A_243 : memref<32x128xf32, #tpu.memory_space<hbm>>) dst(%dma_wait3A_240 : memref<32x128xf32, #tpu.memory_space<vmem>>)
    %dma_wait3A_244 = arith.constant 2 : i32
    %dma_wait3A_245 = arith.constant 0 : i32
    %dma_wait3A_246 = arith.constant 0 : i32
    %dma_wait3A_247 = tpu.memref_slice %arg10[%dma_wait3A_244, %dma_wait3A_245, %dma_wait3A_246] : memref<4x32x128xf32, #tpu.memory_space<vmem>> -> memref<1x32x128xf32, #tpu.memory_space<vmem>>
    %dma_wait3A_248 = tpu.memref_squeeze %dma_wait3A_247 : memref<1x32x128xf32, #tpu.memory_space<vmem>> -> memref<32x128xf32, #tpu.memory_space<vmem>>
    %dma_wait3A_249 = arith.constant 0 : i32
    %dma_wait3A_250 = arith.constant 0 : i32
    %dma_wait3A_251 = tpu.memref_slice %arg5[%dma_wait3A_249, %dma_wait3A_250] : memref<32x1000000xf32, #tpu.memory_space<hbm>> -> memref<32x128xf32, #tpu.memory_space<hbm>>
    %dma_wait3A_252 = arith.constant 0 : i32
    %dma_wait3A_253 = arith.constant 0 : i32
    %dma_wait3A_254 = tpu.memref_slice %arg10[%dma_wait3A_244, %dma_wait3A_252, %dma_wait3A_253] : memref<4x32x128xf32, #tpu.memory_space<vmem>> -> memref<1x32x128xf32, #tpu.memory_space<vmem>>
    %dma_wait3A_255 = tpu.memref_squeeze %dma_wait3A_254 : memref<1x32x128xf32, #tpu.memory_space<vmem>> -> memref<32x128xf32, #tpu.memory_space<vmem>>
    %dma_wait3A_256 = arith.constant 0 : i32
    %dma_wait3A_257 = arith.constant 0 : i32
    %dma_wait3A_258 = tpu.memref_slice %arg5[%dma_wait3A_256, %dma_wait3A_257] : memref<32x1000000xf32, #tpu.memory_space<hbm>> -> memref<32x128xf32, #tpu.memory_space<hbm>>
    tpu.wait_dma2 semaphore(%arg14 : memref<!tpu.dma_semaphore, #tpu.memory_space<semaphore_mem>>) src(%dma_wait3A_258 : memref<32x128xf32, #tpu.memory_space<hbm>>) dst(%dma_wait3A_255 : memref<32x128xf32, #tpu.memory_space<vmem>>)
    %dma_wait3A_259 = arith.constant 3 : i32
    %dma_wait3A_260 = arith.constant 0 : i32
    %dma_wait3A_261 = arith.constant 0 : i32
    %dma_wait3A_262 = tpu.memref_slice %arg9[%dma_wait3A_259, %dma_wait3A_260, %dma_wait3A_261] : memref<4x32x128xf32, #tpu.memory_space<vmem>> -> memref<1x32x128xf32, #tpu.memory_space<vmem>>
    %dma_wait3A_263 = tpu.memref_squeeze %dma_wait3A_262 : memref<1x32x128xf32, #tpu.memory_space<vmem>> -> memref<32x128xf32, #tpu.memory_space<vmem>>
    %dma_wait3A_264 = arith.constant 0 : i32
    %dma_wait3A_265 = arith.constant 0 : i32
    %dma_wait3A_266 = tpu.memref_slice %arg4[%dma_wait3A_264, %dma_wait3A_265] : memref<32x1000000xf32, #tpu.memory_space<hbm>> -> memref<32x128xf32, #tpu.memory_space<hbm>>
    %dma_wait3A_267 = arith.constant 0 : i32
    %dma_wait3A_268 = arith.constant 0 : i32
    %dma_wait3A_269 = tpu.memref_slice %arg9[%dma_wait3A_259, %dma_wait3A_267, %dma_wait3A_268] : memref<4x32x128xf32, #tpu.memory_space<vmem>> -> memref<1x32x128xf32, #tpu.memory_space<vmem>>
    %dma_wait3A_270 = tpu.memref_squeeze %dma_wait3A_269 : memref<1x32x128xf32, #tpu.memory_space<vmem>> -> memref<32x128xf32, #tpu.memory_space<vmem>>
    %dma_wait3A_271 = arith.constant 0 : i32
    %dma_wait3A_272 = arith.constant 0 : i32
    %dma_wait3A_273 = tpu.memref_slice %arg4[%dma_wait3A_271, %dma_wait3A_272] : memref<32x1000000xf32, #tpu.memory_space<hbm>> -> memref<32x128xf32, #tpu.memory_space<hbm>>
    tpu.wait_dma2 semaphore(%arg14 : memref<!tpu.dma_semaphore, #tpu.memory_space<semaphore_mem>>) src(%dma_wait3A_273 : memref<32x128xf32, #tpu.memory_space<hbm>>) dst(%dma_wait3A_270 : memref<32x128xf32, #tpu.memory_space<vmem>>)
    %dma_wait3A_274 = arith.constant 3 : i32
    %dma_wait3A_275 = arith.constant 0 : i32
    %dma_wait3A_276 = arith.constant 0 : i32
    %dma_wait3A_277 = tpu.memref_slice %arg10[%dma_wait3A_274, %dma_wait3A_275, %dma_wait3A_276] : memref<4x32x128xf32, #tpu.memory_space<vmem>> -> memref<1x32x128xf32, #tpu.memory_space<vmem>>
    %dma_wait3A_278 = tpu.memref_squeeze %dma_wait3A_277 : memref<1x32x128xf32, #tpu.memory_space<vmem>> -> memref<32x128xf32, #tpu.memory_space<vmem>>
    %dma_wait3A_279 = arith.constant 0 : i32
    %dma_wait3A_280 = arith.constant 0 : i32
    %dma_wait3A_281 = tpu.memref_slice %arg5[%dma_wait3A_279, %dma_wait3A_280] : memref<32x1000000xf32, #tpu.memory_space<hbm>> -> memref<32x128xf32, #tpu.memory_space<hbm>>
    %dma_wait3A_282 = arith.constant 0 : i32
    %dma_wait3A_283 = arith.constant 0 : i32
    %dma_wait3A_284 = tpu.memref_slice %arg10[%dma_wait3A_274, %dma_wait3A_282, %dma_wait3A_283] : memref<4x32x128xf32, #tpu.memory_space<vmem>> -> memref<1x32x128xf32, #tpu.memory_space<vmem>>
    %dma_wait3A_285 = tpu.memref_squeeze %dma_wait3A_284 : memref<1x32x128xf32, #tpu.memory_space<vmem>> -> memref<32x128xf32, #tpu.memory_space<vmem>>
    %dma_wait3A_286 = arith.constant 0 : i32
    %dma_wait3A_287 = arith.constant 0 : i32
    %dma_wait3A_288 = tpu.memref_slice %arg5[%dma_wait3A_286, %dma_wait3A_287] : memref<32x1000000xf32, #tpu.memory_space<hbm>> -> memref<32x128xf32, #tpu.memory_space<hbm>>
    tpu.wait_dma2 semaphore(%arg14 : memref<!tpu.dma_semaphore, #tpu.memory_space<semaphore_mem>>) src(%dma_wait3A_288 : memref<32x128xf32, #tpu.memory_space<hbm>>) dst(%dma_wait3A_285 : memref<32x128xf32, #tpu.memory_space<vmem>>)
    "tpu.region"() ({
      %run_scoped3A = tpu.sem_alloc : memref<!tpu.dma_semaphore, #tpu.memory_space<semaphore_mem>>
      %dma_start3A_289 = arith.constant 0 : i32
      %dma_start3A_290 = tpu.memref_slice %arg13[%dma_start3A_289] : memref<528xf32, #tpu.memory_space<vmem>> -> memref<512xf32, #tpu.memory_space<vmem>>
      %dma_start3A_291 = tpu.memref_slice %arg6[%mul3A_2] : memref<16384xf32, #tpu.memory_space<hbm>> -> memref<512xf32, #tpu.memory_space<hbm>>
      %dma_start3A_292 = tpu.memref_slice %arg6[%mul3A_2] : memref<16384xf32, #tpu.memory_space<hbm>> -> memref<512xf32, #tpu.memory_space<hbm>>
      %dma_start3A_293 = arith.constant 0 : i32
      %dma_start3A_294 = tpu.memref_slice %arg13[%dma_start3A_293] : memref<528xf32, #tpu.memory_space<vmem>> -> memref<512xf32, #tpu.memory_space<vmem>>
      tpu.enqueue_dma source(%dma_start3A_294 : memref<512xf32, #tpu.memory_space<vmem>>) target(%dma_start3A_292 : memref<512xf32, #tpu.memory_space<hbm>>) target_semaphore(%run_scoped3A : memref<!tpu.dma_semaphore, #tpu.memory_space<semaphore_mem>>)
      %dma_wait3A_295 = arith.constant 0 : i32
      %dma_wait3A_296 = tpu.memref_slice %arg13[%dma_wait3A_295] : memref<528xf32, #tpu.memory_space<vmem>> -> memref<512xf32, #tpu.memory_space<vmem>>
      %dma_wait3A_297 = tpu.memref_slice %arg6[%mul3A_2] : memref<16384xf32, #tpu.memory_space<hbm>> -> memref<512xf32, #tpu.memory_space<hbm>>
      %dma_wait3A_298 = tpu.memref_slice %arg6[%mul3A_2] : memref<16384xf32, #tpu.memory_space<hbm>> -> memref<512xf32, #tpu.memory_space<hbm>>
      %dma_wait3A_299 = arith.constant 0 : i32
      %dma_wait3A_300 = tpu.memref_slice %arg13[%dma_wait3A_299] : memref<528xf32, #tpu.memory_space<vmem>> -> memref<512xf32, #tpu.memory_space<vmem>>
      tpu.wait_dma2 semaphore(%run_scoped3A : memref<!tpu.dma_semaphore, #tpu.memory_space<semaphore_mem>>) src(%dma_wait3A_300 : memref<512xf32, #tpu.memory_space<vmem>>) dst(%dma_wait3A_298 : memref<512xf32, #tpu.memory_space<hbm>>)
      tpu.yield
    }) : () -> ()
    return
  }
}

</mosaic_0001>

<sc_bundles>
// kernel: kernel.3.cloned.1.call-start
scs
__scs_entry_jumppad:
0x0: {  	(pc) =	sbr.rel $0x88, $3  }
0x1: {  	(tag) =	ssettag $0x0;
	lr =	simm.s32 $0x1  }
0x2: {  	[smem:$0x3F9D] =	sst lr;
	_ =	strace $0xD0000000  }
0x3: {  	_ = 	snop  }
0x4: {  	_ = 	snop  }
0x5: {  	_ = 	snop  }
0x6: {  	_ = 	snop  }
0x7: {  	_ = 	snop  }
__scs_overlays_trampoline_lowered:
0x8: {  	[smem:$0x3FAC] =	sst s0  }
0x9: {  	[smem:$0x3FAD] =	sst s1  }
0xa: {  	[smem:$0x3FAE] =	sst s2  }
0xb: {  	[smem:$0x3FAF] =	sst s3  }
0xc: {  	[smem:$0x3FB0] =	sst s4  }
0xd: {  	[smem:$0x3FB1] =	sst s5  }
0xe: {  	[smem:$0x3FB2] =	sst s6  }
0xf: {  	[smem:$0x3FB3] =	sst s7  }
0x10: {  	[smem:$0x3FB4] =	sst s8  }
0x11: {  	[smem:$0x3FB5] =	sst s9;
	s0 =	simm.s32 @!p0 $0x0  }
0x12: {  	s1 =	sld [smem:$0x3F9B];
	s0 =	simm.s32 @p0 $0x1  }
0x13: {  	[smem:$0x3FB6] =	sst s0;
	s0 =	simm.s32 @!p1 $0x0  }
0x14: {  	s2 =	sld [smem:$0x3F9A];
	s0 =	simm.s32 @p1 $0x1  }
0x15: {  	[smem:$0x3FB7] =	sst s0;
	s0 =	simm.s32 @!p2 $0x0  }
0x16: {  	s3 =	sld [smem:$0x3FDB];
	s0 =	simm.s32 @p2 $0x1  }
0x17: {  	s4 =	simm.s32 $0x1BF5;
	[smem:$0x3FB9] =	sst s0  }
0x18: {  	s0 =	sld [smem:$0x3F9C];
	_ =	swait.ge [sflag:s4], $0x0  }
0x19: {  	s7 =	sld [smem:$0x3F9D]  }
0x1a: {  	s8 =	sadd.s32 $0xFFFFE003, lr  }
0x1b: {  	s9 =	sadd.s32 $0xFFFFFEF7, lr;
	s5 =	simm.s32 $0xFFFFFFFF;
	p2 =	slt.u32 s8, $0xFFFFF086  }
0x1c: {  	p1 =	slt.u32 s9, $0xF7A;
	s5 =	simm.s32 @!p2 $0x0  }
0x1d: {  	s5 =	simm.s32 @p1 $0x1;
	p0 =	seq.s32 s7, s2  }
0x1e: {  	s7 =	smul.u32 @!p0 $0xF7A, s2;
	p2 =	seq.s32 @!p0 s5, $0x0  }
0x1f: {  	s9 =	smul.u32 $0xF7A, s1;
	s8 =	simm.s32 @!p0 $0x1BF5;
	p2 =	por !p2, p0  }
0x20: {  	[sflag:s8] =	ssyncset.s32 @!p0 $0xFFFFF086;
	s6 =	sadd.s32 @!p0 s3, s7;
	s7 =	simm.s32 @!p0 $0x108  }
0x21: {  	s3 =	sadd.s32 s3, s9;
	s6 =	sadd.s32 @!p0 $0x88, s6;
	s7 =	simm.s32 @p2 $0x1082  }
0x22: {  	[simem:s7], [sflag:s8] =	dma.local @!p0 [hbm:s6], $0xF7A  }
0x23: {  	s9 =	sor.u32 $0xD0000000, s2;
	s6 =	simm.s32 $0x108;
	_ =	swait.ge @!p0 [sflag:s8], $0x0  }
0x24: {  	s3 =	sadd.s32 $0x88, s3;
	s6 =	simm.s32 @!p1 $0x1082;
	[sflag:s4] =	ssyncset.s32 $0xFFFFF086  }
0x25: {  	[simem:s6], [sflag:s4] =	dma.local [hbm:s3], $0xF7A  }
0x26: {  	[smem:$0x3F9D] =	sst s1;
	(tag) =	ssettag s2;
	_ =	strace s9  }
0x27: {  	s1 =	sld [smem:$0x3FAD]  }
0x28: {  	s2 =	sld [smem:$0x3FAE]  }
0x29: {  	s4 =	sld [smem:$0x3FB0]  }
0x2a: {  	p0 =	seq.s32 s5, $0x0;
	s5 =	sld [smem:$0x3FB1]  }
0x2b: {  	s6 =	sld [smem:$0x3FB2]  }
0x2c: {  	s7 =	sld [smem:$0x3FB3]  }
0x2d: {  	s3 =	simm.s32 $0x108;
	s8 =	sld [smem:$0x3FB4]  }
0x2e: {  	s3 =	simm.s32 @!p0 $0x1082;
	s9 =	sld [smem:$0x3FB5]  }
0x2f: {  	lr =	sadd.s32 s0, s3;
	s0 =	sld [smem:$0x3FAC]  }
0x30: {  	s3 =	sld [smem:$0x3FAF]  }
0x31: {  	[smem:$0x3FB8] =	sst s10  }
0x32: {  	s10 =	sld [smem:$0x3FB6];
	_ =	sdelay $0x3  }
0x33: {  	p0 =	seq.s32 s10, $0x1;
	s10 =	sld [smem:$0x3FB8];
	_ =	sdelay $0x3  }
0x34: {  	[smem:$0x3FB8] =	sst s10  }
0x35: {  	s10 =	sld [smem:$0x3FB7];
	_ =	sdelay $0x3  }
0x36: {  	p1 =	seq.s32 s10, $0x1;
	s10 =	sld [smem:$0x3FB8];
	_ =	sdelay $0x3  }
0x37: {  	[smem:$0x3FB8] =	sst s10  }
0x38: {  	s10 =	sld [smem:$0x3FB9]  }
0x39: {  	_ = 	snop;
	(pc) =	sbr.ind lr, $3  }
0x3a: {  	_ = 	snop  }
0x3b: {  	_ = 	snop  }
0x3c: {  	p2 =	seq.s32 s10, $0x1;
	s10 =	sld [smem:$0x3FB8]  }
0x3d: {  	_ =	shalt  }
0x3e: {  	_ =	shalt  }
0x3f: {  	_ =	shalt  }
0x40: {  	_ =	shalt  }
0x41: {  	_ =	shalt  }
0x42: {  	_ =	shalt  }
0x43: {  	_ =	shalt  }
0x44: {  	_ =	shalt  }
0x45: {  	_ =	shalt  }
0x46: {  	_ =	shalt  }
0x47: {  	_ =	shalt  }
0x48: {  	_ =	shalt  }
0x49: {  	_ =	shalt  }
0x4a: {  	_ =	shalt  }
0x4b: {  	_ =	shalt  }
0x4c: {  	_ =	shalt  }
0x4d: {  	_ =	shalt  }
0x4e: {  	_ =	shalt  }
0x4f: {  	_ =	shalt  }
0x50: {  	_ =	shalt  }
0x51: {  	_ =	shalt  }
0x52: {  	_ =	shalt  }
0x53: {  	_ =	shalt  }
0x54: {  	_ =	shalt  }
0x55: {  	_ =	shalt  }
0x56: {  	_ =	shalt  }
0x57: {  	_ =	shalt  }
0x58: {  	_ =	shalt  }
0x59: {  	_ =	shalt  }
0x5a: {  	_ =	shalt  }
0x5b: {  	_ =	shalt  }
0x5c: {  	_ =	shalt  }
0x5d: {  	_ =	shalt  }
0x5e: {  	_ =	shalt  }
0x5f: {  	_ =	shalt  }
0x60: {  	_ =	shalt  }
0x61: {  	_ =	shalt  }
0x62: {  	_ =	shalt  }
0x63: {  	_ =	shalt  }
0x64: {  	_ =	shalt  }
0x65: {  	_ =	shalt  }
0x66: {  	_ =	shalt  }
0x67: {  	_ =	shalt  }
0x68: {  	_ =	shalt  }
0x69: {  	_ =	shalt  }
0x6a: {  	_ =	shalt  }
0x6b: {  	_ =	shalt  }
0x6c: {  	_ =	shalt  }
0x6d: {  	_ =	shalt  }
0x6e: {  	_ =	shalt  }
0x6f: {  	_ =	shalt  }
0x70: {  	_ =	shalt  }
0x71: {  	_ =	shalt  }
0x72: {  	_ =	shalt  }
0x73: {  	_ =	shalt  }
0x74: {  	_ =	shalt  }
0x75: {  	_ =	shalt  }
0x76: {  	_ =	shalt  }
0x77: {  	_ =	shalt  }
0x78: {  	_ =	shalt  }
0x79: {  	_ =	shalt  }
0x7a: {  	_ =	shalt  }
0x7b: {  	_ =	shalt  }
0x7c: {  	_ =	shalt  }
0x7d: {  	_ =	shalt  }
0x7e: {  	_ =	shalt  }
0x7f: {  	_ =	shalt  }
0x80: {  	_ =	shalt  }
0x81: {  	_ =	shalt  }
0x82: {  	_ =	shalt  }
0x83: {  	_ =	shalt  }
0x84: {  	_ =	shalt  }
0x85: {  	_ =	shalt  }
0x86: {  	_ =	shalt  }
0x87: {  	_ =	shalt  }
.Lfunc_end0:
.L_simem_size_0:
called_computation_lowered:
.L_overlay_start_0:
0x88: {  	s2 =	sld [smem:$0x3FD9]  }
0x89: {  	s3 =	sld [smem:$0x3FFE];
	_ =	sdelay $0x1  }
0x8a: {  	s1 =	srdreg.scid  }
0x8b: {  	s0 =	sand.u32 $0x1, s1  }
0x8c: {  	s18 =	sshll.u32 s0, $0xA;
	s2 =	sadd.s32 s3, s2  }
0x8d: {  	s2 =	sadd.s32 s2, s18  }
0x8e: {  	[smem:$0x3FC4] =	sst s2  }
0x8f: {  	_ = 	snop  }
0x90: {  	s2 =	sld [smem:$0x3FC9]  }
0x91: {  	s19 =	sld [smem:$0x3FC8]  }
0x92: {  	s4 =	sld [smem:$0x3FC7]  }
0x93: {  	s5 =	sld [smem:$0x3FC6]  }
0x94: {  	s6 =	sld [smem:$0x3FD0];
	(tm) =	ssettm $0x1  }
0x95: {  	s7 =	sld [smem:$0x3FFB];
	_ =	sdelay $0x3  }
0x96: {  	_ =	strace s7  }
0x97: {  	s7 =	sld [smem:$0x3FFC];
	_ =	sdelay $0x3  }
0x98: {  	_ =	strace s7  }
0x99: {  	s7 =	sld [smem:$0x3FFD];
	_ =	sdelay $0x3  }
0x9a: {  	_ =	strace s7  }
0x9b: {  	_ =	strace $0x8FFFFFFF  }
0x9c: {  	s20 =	sld [smem:$0x3FDB];
	_ =	sdelay $0x1  }
0x9d: {  	s8 =	simm.s32 $_scs_section_size  }
0x9e: {  	s9 =	simm.s32 $_size__tile_overlayer_lowered;
	s10 =	simm.s32 $_tile_overlayer_lowered  }
0x9f: {  	s23 =	simm.s32 $0x1BFF;
	s22 =	sshll.u32 s10, $0x1;
	s7 =	sadd.s32 s8, s20  }
0xa0: {  	s11 =	simm.s32 $0x0;
	s21 =	sshll.u32 s9, $0x1;
	s9 =	sadd.s32 s22, s7  }
0xa1: {  	[timem:s11], [sflag:s23] =	dma.local [hbm:s9], s21  }
0xa2: {  	_ =	swait.ge [sflag:s23], s21  }
0xa3: {  	s8 =	ssub.s32 $0x0, s21;
	[sflag:s23] =	ssyncset.done $0x0  }
0xa4: {  	[sflag:s23] =	ssyncadd.s32 s8;
	_ =	sdelay $0x1  }
0xa5: {  	s24 =	simm.s32 $0x1B8B  }
0xa6: {  	_ =	swait.ge [sflag:s24], $0x1  }
0xa7: {  	[sflag:s24] =	ssyncset.done $0x0  }
0xa8: {  	s25 =	simm.s32 $0x1B8E;
	[sflag:s24] =	ssyncadd.s32 $0xFFFFFFFF  }
0xa9: {  	s26 =	simm.s32 $execute0_lowered;
	[smem:$0x3FD2] =	sst s25  }
0xaa: {  	s8 =	sshll.u32 s26, $0x1;
	_ =	strace $0x80000046;
	[dreg:$0x1] =	wrdreg $0xFFFFFFFF  }
0xab: {  	s28 =	simm.s32 $_size_execute0_lowered;
	s7 =	sadd.s32 s7, s8;
	[dreg:$0x0] =	wrdreg $0x0  }
0xac: {  	s8 =	sshll.u32 s28, $0x1;
	[dreg:$0x2] =	wrdreg s7  }
0xad: {  	[dreg:$0x3] =	wrdreg s8  }
0xae: {  	[dreg:$0x4] =	wrdreg $0xC0  }
0xaf: {  	_ =	task [dreg:s11], $0x5FFFF  }
0xb0: {  	[dreg:$0x1] =	wrdreg $0xFFFFFFFF  }
0xb1: {  	[dreg:$0x0] =	wrdreg $0x60  }
0xb2: {  	[dreg:$0x2] =	wrdreg s2  }
0xb3: {  	[dreg:$0x3] =	wrdreg s19  }
0xb4: {  	[dreg:$0x4] =	wrdreg s4  }
0xb5: {  	[dreg:$0x5] =	wrdreg s5  }
0xb6: {  	[dreg:$0x6] =	wrdreg s6  }
0xb7: {  	[dreg:$0x7] =	wrdreg $0x9  }
0xb8: {  	_ =	task.clear_ibuf [dreg:s11], $0x8FFFF;
	_ =	strace $0x90000046  }
0xb9: {  	s29 =	simm.s32 $0x9;
	_ =	strace $0x80000048  }
0xba: {  	_ =	swait.ge [sflag:s29], $0x1  }
0xbb: {  	[sflag:s29] =	ssyncadd.s32 $0xFFFFFFFF  }
0xbc: {  	_ =	strace $0x90000048  }
0xbd: {  	_ =	sfence  }
0xbe: {  	s30 =	sld [smem:$0x0];
	_ =	sdelay $0x2  }
0xbf: {  	s31 =	sshll.u32 s1, $0xD;
	s1 =	sshrl.u32 s1, $0x2  }
0xc0: {  	s3 =	sand.u32 $0x4000, s31;
	s1 =	sadd.s32 s1, s30  }
0xc1: {  	s0 =	sor.u32 s3, s0;
	s1 =	sshll.u32 s1, $0x11  }
0xc2: {  	s0 =	sor.u32 s1, s0  }
0xc3: {  	s0 =	sadd.s32 $0x8F2B, s0  }
0xc4: {  	[sflag:s0] =	ssyncadd.remote.s32 $0x1  }
0xc5: {  	_ =	sfence.sel $0xFFFF  }
0xc6: {  	[dreg:$0x0] =	wrdreg $0xFFFFFFFF;
	(pc) =	sbr.abs _section_cstart, $3  }
0xc7: {  	[dreg:$0x1] =	wrdreg $0xFFFFFFFF  }
0xc8: {  	_ =	task.clear_ibuf [dreg:s11], $0x2FFFF;
	_ =	strace $0x9FFFFFFF  }
0xc9: {  	(tm) =	ssettm $0x7FFFFFFF  }
tec
execute0_lowered:
.L_overlay_start_1:
0x0: {  	(tag) =	ssettag $0x1  }
0x1: {  	s5 =	rddreg [dreg:$0x0]  }
0x2: {  	s6 =	rddreg [dreg:$0x1]  }
0x3: {  	s1 =	rddreg [dreg:$0x2]  }
0x4: {  	s2 =	rddreg [dreg:$0x3]  }
0x5: {  	s7 =	rddreg [dreg:$0x4];
	s8 =	srdreg.scid  }
0x6: {  	s4 =	simm.s32 $0x0;
	s0 =	stileid.u32;
	v0 =	vlaneseq.u32;
	s12 =	simm.s32 $0x400  }
0x7: {  	s13 =	simm.s32 $0x500;
	s14 =	simm.s32 $0x4500;
	s15 =	simm.s32 $0x1500;
	v0 =	vand.u32 $0x3, v0  }
0x8: {  	s16 =	simm.s32 $0x5500;
	s18 =	simm.s32 $0x9500;
	s17 =	simm.s32 $0x2500;
	v0 =	vmul.u32 $0x1000, v0  }
0x9: {  	s19 =	simm.s32 $0xD500;
	s20 =	simm.s32 $0xA500;
	s21 =	simm.s32 $0xE500  }
0xa: {  	s22 =	simm.s32 $0xB500;
	s23 =	simm.s32 $0xF500;
	s24 =	simm.s32 $0x2;
	v1 =	vor.u32 $0x80, v0  }
0xb: {  	s25 =	simm.s32 $0x10500;
	s26 =	simm.s32 $0x0;
	[smem:$0x7FF] =	sst s4;
	v2 =	vor.u32 $0x100, v0;
	v3 =	vor.u32 $0x180, v0;
	v4 =	vor.u32 $0x200, v0  }
0xc: {  	s8 =	sand.u32 $0x1, s8;
	_ =	strace $0x80000047;
	[dreg:$0x6] =	wrdreg s18;
	v5 =	vor.u32 $0x280, v0;
	v6 =	vor.u32 $0x300, v0;
	v7 =	vor.u32 $0x380, v0  }
0xd: {  	s10 =	sshll.u32 s0, $0x7;
	s9 =	ssub.s32 $0x2, s8;
	[dreg:$0x7] =	wrdreg s19;
	v8 =	vor.u32 $0x400, v0;
	v9 =	vor.u32 $0x480, v0;
	v10 =	vor.u32 $0x500, v0  }
0xe: {  	s8 =	sshll.u32 s8, $0x6;
	s18 =	simm.s32 $0x6500;
	[dreg:$0x8] =	wrdreg s20;
	v11 =	vor.u32 $0x580, v0;
	v12 =	vor.u32 $0x600, v0;
	v13 =	vor.u32 $0x680, v0  }
0xf: {  	s19 =	simm.s32 $0x3500;
	s20 =	simm.s32 $0x7500;
	[dreg:$0x9] =	wrdreg s21;
	v14 =	vor.u32 $0x700, v0;
	v15 =	vor.u32 $0x780, v0;
	v16 =	vor.u32 $0x800, v0  }
0x10: {  	s21 =	simm.s32 $0x8500;
	[dreg:$0xa] =	wrdreg s22;
	s22 =	simm.s32 $0xC500;
	v17 =	vor.u32 $0x880, v0;
	v18 =	vor.u32 $0x900, v0;
	v19 =	vor.u32 $0x980, v0  }
0x11: {  	[dreg:$0xb] =	wrdreg s23;
	s23 =	simm.s32 $0x1;
	s11 =	sshrl.u32 s9, $0x1;
	v20 =	vor.u32 $0xA00, v0;
	v21 =	vor.u32 $0xA80, v0;
	v22 =	vor.u32 $0xB00, v0  }
0x12: {  	s8 =	sor.u32 s8, s10;
	s10 =	simm.s32 $0x280;
	s9 =	ssub.s32 s9, s11;
	v23 =	vor.u32 $0xB80, v0;
	v24 =	vor.u32 $0xC00, v0;
	v25 =	vor.u32 $0xC80, v0  }
0x13: {  	s5 =	sadd.s32 s5, s8;
	s6 =	sadd.s32 s6, s8;
	s7 =	sadd.s32 s7, s8;
	v26 =	vor.u32 $0xD00, v0;
	v27 =	vor.u32 $0xD80, v0;
	v28 =	vor.u32 $0xE00, v0  }
0x14: {  	s11 =	simm.s32 $0x7A1400;
	v29 =	vor.u32 $0xE80, v0;
	v30 =	vor.u32 $0xF00, v0;
	v31 =	vor.u32 $0xF80, v0;
	s8 =	smax.u32 s9, $0x1;
	s9 =	simm.s32 $0x3  }
.LBB2_1:
0x15: {  	[tilespmem:s4], [sflag:$0x3] =	stream.linear.gather [hbm4b:s5+s4], $0x200, $0x38;
	[tilespmem:$0x10780] =	vst v63  }
0x16: {  	_ =	swait.ge [sflag:s9], $0x200  }
0x17: {  	[sflag:s9] =	ssyncset.done $0x0  }
0x18: {  	[sflag:s9] =	ssyncadd.s32 $0xFFFFFE00  }
0x19: {  	[tilespmem:s10], [sflag:$0x3] =	stream.linear.gather [hbm4b:s6+s4], $0x200, $0x38;
	[tilespmem:$0x10780] =	vst v63  }
0x1a: {  	_ =	swait.ge [sflag:s9], $0x200  }
0x1b: {  	[sflag:s9] =	ssyncset.done $0x0  }
0x1c: {  	[sflag:s9] =	ssyncadd.s32 $0xFFFFFE00  }
0x1d: {  	v32 =	vld [tilespmem:$0x0];
	_ =	sdelay $0x3  }
0x1e: {  	v33 =	vld [tilespmem:$0x280]  }
0x1f: {  	(v2sf) =	vpush v32, $0x0;
	_ =	sdelay $0x3  }
0x20: {  	(v2sf) =	vpush v33, $0x0;
	_ =	sdelay $0x3  }
0x21: {  	(v2sf) =	vpush v32, $0x1;
	_ =	sdelay $0x1  }
0x22: {  	(v2sf) =	vpush v33, $0x1;
	_ =	sdelay $0x2  }
0x23: {  	(v2sf) =	vpush v32, $0x2;
	_ =	sdelay $0x1  }
0x24: {  	s28 =	spop (v2sf)  }
0x25: {  	s28 =	sand.u32 $0xFFFFF80, s28  }
0x26: {  	s28 =	sadd.s32 s1, s28  }
0x27: {  	(v2sf) =	vpush v33, $0x2;
	[tilespmem:s13], [sflag:$0x1] =	stream.strided.gather [hbm4b:s28+s12], $0x1000, s11, s12, $0x38;
	[tilespmem:$0x10780] =	vst v63  }
0x28: {  	s28 =	spop (v2sf)  }
0x29: {  	(v2sf) =	vpush v32, $0x3;
	s28 =	sand.u32 $0xFFFFF80, s28  }
0x2a: {  	s28 =	sadd.s32 s2, s28  }
0x2b: {  	[tilespmem:s14], [sflag:$0x1] =	stream.strided.gather [hbm4b:s28+s12], $0x1000, s11, s12, $0x38;
	[tilespmem:$0x10780] =	vst v63  }
0x2c: {  	s28 =	spop (v2sf)  }
0x2d: {  	s28 =	sand.u32 $0xFFFFF80, s28  }
0x2e: {  	(v2sf) =	vpush v33, $0x3;
	s29 =	spop (v2sf);
	s28 =	sadd.s32 s1, s28  }
0x2f: {  	[tilespmem:s15], [sflag:$0x1] =	stream.strided.gather [hbm4b:s28+s12], $0x1000, s11, s12, $0x38;
	[tilespmem:$0x10780] =	vst v63  }
0x30: {  	s28 =	sand.u32 $0xFFFFF80, s29  }
0x31: {  	s29 =	spop (v2sf);
	s28 =	sadd.s32 s2, s28  }
0x32: {  	[tilespmem:s16], [sflag:$0x1] =	stream.strided.gather [hbm4b:s28+s12], $0x1000, s11, s12, $0x38;
	[tilespmem:$0x10780] =	vst v63  }
0x33: {  	s28 =	sand.u32 $0xFFFFF80, s29  }
0x34: {  	s28 =	sadd.s32 s1, s28  }
0x35: {  	[tilespmem:s17], [sflag:$0x1] =	stream.strided.gather [hbm4b:s28+s12], $0x1000, s11, s12, $0x38;
	[tilespmem:$0x10780] =	vst v63  }
0x36: {  	s29 =	spop (v2sf)  }
0x37: {  	s28 =	sand.u32 $0xFFFFF80, s29  }
0x38: {  	s28 =	sadd.s32 s2, s28;
	s29 =	spop (v2sf)  }
0x39: {  	[tilespmem:s18], [sflag:$0x1] =	stream.strided.gather [hbm4b:s28+s12], $0x1000, s11, s12, $0x38;
	[tilespmem:$0x10780] =	vst v63  }
0x3a: {  	s28 =	sand.u32 $0xFFFFF80, s29  }
0x3b: {  	s28 =	sadd.s32 s1, s28  }
0x3c: {  	[tilespmem:s19], [sflag:$0x1] =	stream.strided.gather [hbm4b:s28+s12], $0x1000, s11, s12, $0x38;
	[tilespmem:$0x10780] =	vst v63  }
0x3d: {  	s28 =	spop (v2sf)  }
0x3e: {  	s28 =	sand.u32 $0xFFFFF80, s28  }
0x3f: {  	s30 =	simm.s32 $0x10504;
	s28 =	sadd.s32 s2, s28  }
0x40: {  	[tilespmem:s20], [sflag:$0x1] =	stream.strided.gather [hbm4b:s28+s12], $0x1000, s11, s12, $0x38;
	[tilespmem:$0x10780] =	vst v63  }
0x41: {  	s31 =	simm.s32 $0x0;
	s29 =	simm.s32 $0x4;
	s28 =	simm.s32 $0x284  }
.LBB2_2:
0x42: {  	v32 =	vld [tilespmem:s29+$0x0];
	_ =	sdelay $0x1  }
0x43: {  	v33 =	vld [tilespmem:s28+$0x0];
	_ =	sdelay $0x2  }
0x44: {  	(v2sf) =	vpush v32, $0x0;
	_ =	sdelay $0x1  }
0x45: {  	(v2sf) =	vpush v33, $0x0;
	_ =	sdelay $0x4  }
0x46: {  	(v2sf) =	vpush v32, $0x1;
	_ =	sdelay $0x3  }
0x47: {  	(v2sf) =	vpush v33, $0x1;
	_ =	sdelay $0x3  }
0x48: {  	s0 =	spop (v2sf);
	(v2sf) =	vpush v32, $0x2  }
0x49: {  	s0 =	sand.u32 $0xFFFFF80, s0  }
0x4a: {  	s3 =	spop (v2sf);
	s0 =	sadd.s32 s1, s0  }
0x4b: {  	[tilespmem:s21], [sflag:$0x2] =	stream.strided.gather [hbm4b:s0+s12], $0x1000, s11, s12, $0x38;
	[tilespmem:$0x10780] =	vst v63  }
0x4c: {  	(v2sf) =	vpush v33, $0x2;
	s0 =	sand.u32 $0xFFFFF80, s3  }
0x4d: {  	s0 =	sadd.s32 s2, s0  }
0x4e: {  	[tilespmem:s22], [sflag:$0x2] =	stream.strided.gather [hbm4b:s0+s12], $0x1000, s11, s12, $0x38;
	[tilespmem:$0x10780] =	vst v63  }
0x4f: {  	s0 =	spop (v2sf)  }
0x50: {  	(v2sf) =	vpush v32, $0x3;
	s0 =	sand.u32 $0xFFFFF80, s0  }
0x51: {  	s3 =	rddreg [dreg:$0x6];
	s0 =	sadd.s32 s1, s0  }
0x52: {  	[tilespmem:s3], [sflag:$0x2] =	stream.strided.gather [hbm4b:s0+s12], $0x1000, s11, s12, $0x38;
	[tilespmem:$0x10780] =	vst v63  }
0x53: {  	s0 =	spop (v2sf)  }
0x54: {  	(v2sf) =	vpush v33, $0x3;
	s0 =	sand.u32 $0xFFFFF80, s0  }
0x55: {  	s3 =	rddreg [dreg:$0x7];
	s0 =	sadd.s32 s2, s0  }
0x56: {  	[tilespmem:s3], [sflag:$0x2] =	stream.strided.gather [hbm4b:s0+s12], $0x1000, s11, s12, $0x38;
	[tilespmem:$0x10780] =	vst v63  }
0x57: {  	s0 =	spop (v2sf)  }
0x58: {  	s0 =	sand.u32 $0xFFFFF80, s0  }
0x59: {  	s3 =	rddreg [dreg:$0x8];
	s0 =	sadd.s32 s1, s0  }
0x5a: {  	[tilespmem:s3], [sflag:$0x2] =	stream.strided.gather [hbm4b:s0+s12], $0x1000, s11, s12, $0x38;
	[tilespmem:$0x10780] =	vst v63  }
0x5b: {  	s0 =	spop (v2sf)  }
0x5c: {  	s0 =	sand.u32 $0xFFFFF80, s0  }
0x5d: {  	s3 =	rddreg [dreg:$0x9];
	s0 =	sadd.s32 s2, s0  }
0x5e: {  	[tilespmem:s3], [sflag:$0x2] =	stream.strided.gather [hbm4b:s0+s12], $0x1000, s11, s12, $0x38;
	[tilespmem:$0x10780] =	vst v63  }
0x5f: {  	s0 =	spop (v2sf)  }
0x60: {  	s0 =	sand.u32 $0xFFFFF80, s0  }
0x61: {  	s3 =	rddreg [dreg:$0xa];
	s0 =	sadd.s32 s1, s0  }
0x62: {  	[tilespmem:s3], [sflag:$0x2] =	stream.strided.gather [hbm4b:s0+s12], $0x1000, s11, s12, $0x38;
	[tilespmem:$0x10780] =	vst v63  }
0x63: {  	s0 =	spop (v2sf)  }
0x64: {  	s0 =	sand.u32 $0xFFFFF80, s0  }
0x65: {  	s3 =	rddreg [dreg:$0xb];
	s0 =	sadd.s32 s2, s0  }
0x66: {  	[tilespmem:s3], [sflag:$0x2] =	stream.strided.gather [hbm4b:s0+s12], $0x1000, s11, s12, $0x38;
	[tilespmem:$0x10780] =	vst v63  }
0x67: {  	_ =	swait.ge [sflag:s23], $0x1000  }
0x68: {  	[sflag:s23] =	ssyncset.done $0x0  }
0x69: {  	[sflag:s23] =	ssyncadd.s32 $0xFFFFF000  }
0x6a: {  	_ =	swait.ge [sflag:s23], $0x1000  }
0x6b: {  	[sflag:s23] =	ssyncset.done $0x0  }
0x6c: {  	[sflag:s23] =	ssyncadd.s32 $0xFFFFF000  }
0x6d: {  	_ =	swait.ge [sflag:s23], $0x1000  }
0x6e: {  	[sflag:s23] =	ssyncset.done $0x0  }
0x6f: {  	[sflag:s23] =	ssyncadd.s32 $0xFFFFF000  }
0x70: {  	_ =	swait.ge [sflag:s23], $0x1000  }
0x71: {  	[sflag:s23] =	ssyncset.done $0x0  }
0x72: {  	[sflag:s23] =	ssyncadd.s32 $0xFFFFF000  }
0x73: {  	_ =	swait.ge [sflag:s23], $0x1000  }
0x74: {  	[sflag:s23] =	ssyncset.done $0x0  }
0x75: {  	[sflag:s23] =	ssyncadd.s32 $0xFFFFF000  }
0x76: {  	_ =	swait.ge [sflag:s23], $0x1000  }
0x77: {  	[sflag:s23] =	ssyncset.done $0x0  }
0x78: {  	[sflag:s23] =	ssyncadd.s32 $0xFFFFF000  }
0x79: {  	_ =	swait.ge [sflag:s23], $0x1000  }
0x7a: {  	[sflag:s23] =	ssyncset.done $0x0  }
0x7b: {  	[sflag:s23] =	ssyncadd.s32 $0xFFFFF000  }
0x7c: {  	_ =	swait.ge [sflag:s23], $0x1000  }
0x7d: {  	[sflag:s23] =	ssyncset.done $0x0  }
0x7e: {  	[sflag:s23] =	ssyncadd.s32 $0xFFFFF000  }
0x7f: {  	v58 =	vld [tilespmem:s29+$0xFFFFFFFC]  }
0x80: {  	v34 =	vld [tilespmem:s28+$0xFFFFFFFC];
	_ =	sdelay $0x3  }
0x81: {  	v33 =	vand.u32 $0x7F, v58  }
0x82: {  	v32 =	vand.u32 $0x7F, v34;
	v59 =	vor.u32 v0, v33  }
0x83: {  	v35 =	vor.u32 v0, v32  }
0x84: {  	v36 =	vor.u32 v1, v33  }
0x85: {  	v37 =	vor.u32 v1, v32  }
0x86: {  	v38 =	vor.u32 v2, v33  }
0x87: {  	v39 =	vor.u32 v2, v32;
	v34 =	vld.idx.msk [tilespmem:v59+s13+$0x0], $0xffff  }
0x88: {  	v40 =	vor.u32 v3, v33;
	v35 =	vld.idx.msk [tilespmem:v35+s14+$0x0], $0xffff  }
0x89: {  	v41 =	vor.u32 v3, v32;
	v36 =	vld.idx.msk [tilespmem:v36+s13+$0x0], $0xffff  }
0x8a: {  	v42 =	vor.u32 v4, v33;
	v37 =	vld.idx.msk [tilespmem:v37+s14+$0x0], $0xffff  }
0x8b: {  	v43 =	vor.u32 v4, v32;
	v38 =	vld.idx.msk [tilespmem:v38+s13+$0x0], $0xffff  }
0x8c: {  	v44 =	vor.u32 v5, v33;
	v39 =	vld.idx.msk [tilespmem:v39+s14+$0x0], $0xffff  }
0x8d: {  	v61 =	vor.u32 v5, v32;
	v60 =	vld.idx.msk [tilespmem:v40+s13+$0x0], $0xffff;
	v34 =	vmul.f32 v35, v34  }
0x8e: {  	v45 =	vor.u32 v6, v33;
	v41 =	vld.idx.msk [tilespmem:v41+s14+$0x0], $0xffff  }
0x8f: {  	v63 =	vor.u32 v6, v32;
	v62 =	vld.idx.msk [tilespmem:v42+s13+$0x0], $0xffff;
	v36 =	vmul.f32 v37, v36;
	v34 =	vadd.f32 $0.0e+00, v34  }
0x90: {  	v46 =	vor.u32 v7, v33;
	v43 =	vld.idx.msk [tilespmem:v43+s14+$0x0], $0xffff  }
0x91: {  	v50 =	vor.u32 v7, v32;
	v49 =	vld.idx.msk [tilespmem:v44+s13+$0x0], $0xffff;
	v48 =	vmul.f32 v39, v38;
	v34 =	vadd.f32 v36, v34  }
0x92: {  	v51 =	vor.u32 v8, v33;
	v40 =	vld.idx.msk [tilespmem:v61+s14+$0x0], $0xffff  }
0x93: {  	v53 =	vor.u32 v8, v32;
	v52 =	vld.idx.msk [tilespmem:v45+s13+$0x0], $0xffff;
	v35 =	vmul.f32 v41, v60;
	v34 =	vadd.f32 v48, v34  }
0x94: {  	v57 =	vor.u32 v9, v32;
	v42 =	vld.idx.msk [tilespmem:v63+s14+$0x0], $0xffff  }
0x95: {  	v54 =	vor.u32 v9, v33;
	v56 =	vld.idx.msk [tilespmem:v46+s13+$0x0], $0xffff;
	v55 =	vmul.f32 v43, v62;
	v34 =	vadd.f32 v35, v34  }
0x96: {  	v58 =	vor.u32 v10, v33;
	v39 =	vld.idx.msk [tilespmem:v50+s14+$0x0], $0xffff  }
0x97: {  	v61 =	vor.u32 v10, v32;
	v59 =	vmul.f32 v40, v49;
	v60 =	vld.idx.msk [tilespmem:v51+s13+$0x0], $0xffff;
	v34 =	vadd.f32 v55, v34  }
0x98: {  	v41 =	vld.idx.msk [tilespmem:v53+s14+$0x0], $0xffff;
	v62 =	vor.u32 v11, v33  }
0x99: {  	v63 =	vmul.f32 v42, v52;
	v49 =	vor.u32 v11, v32;
	v43 =	vld.idx.msk [tilespmem:v57+s14+$0x0], $0xffff;
	v34 =	vadd.f32 v59, v34  }
0x9a: {  	v53 =	vor.u32 v12, v32;
	v48 =	vld.idx.msk [tilespmem:v54+s13+$0x0], $0xffff  }
0x9b: {  	v50 =	vor.u32 v12, v33;
	v52 =	vld.idx.msk [tilespmem:v58+s13+$0x0], $0xffff;
	v51 =	vmul.f32 v39, v56;
	v34 =	vadd.f32 v63, v34  }
0x9c: {  	v40 =	vld.idx.msk [tilespmem:v61+s14+$0x0], $0xffff;
	v57 =	vor.u32 v13, v32  }
0x9d: {  	v56 =	vld.idx.msk [tilespmem:v62+s13+$0x0], $0xffff;
	v54 =	vor.u32 v13, v33;
	v55 =	vmul.f32 v41, v60;
	v34 =	vadd.f32 v51, v34  }
0x9e: {  	v61 =	vor.u32 v14, v32;
	v42 =	vld.idx.msk [tilespmem:v49+s14+$0x0], $0xffff  }
0x9f: {  	v58 =	vor.u32 v14, v33;
	v39 =	vld.idx.msk [tilespmem:v53+s14+$0x0], $0xffff;
	v59 =	vmul.f32 v43, v48;
	v34 =	vadd.f32 v55, v34  }
0xa0: {  	v49 =	vor.u32 v15, v32;
	v60 =	vld.idx.msk [tilespmem:v50+s13+$0x0], $0xffff  }
0xa1: {  	v62 =	vor.u32 v15, v33;
	v41 =	vld.idx.msk [tilespmem:v57+s14+$0x0], $0xffff;
	v63 =	vmul.f32 v40, v52;
	v34 =	vadd.f32 v59, v34  }
0xa2: {  	v53 =	vor.u32 v16, v32;
	v48 =	vld.idx.msk [tilespmem:v54+s13+$0x0], $0xffff  }
0xa3: {  	v50 =	vor.u32 v16, v33;
	v43 =	vld.idx.msk [tilespmem:v61+s14+$0x0], $0xffff;
	v51 =	vmul.f32 v42, v56;
	v34 =	vadd.f32 v63, v34  }
0xa4: {  	v57 =	vor.u32 v17, v32;
	v52 =	vld.idx.msk [tilespmem:v58+s13+$0x0], $0xffff  }
0xa5: {  	v54 =	vor.u32 v17, v33;
	v40 =	vld.idx.msk [tilespmem:v49+s14+$0x0], $0xffff;
	v55 =	vmul.f32 v39, v60;
	v34 =	vadd.f32 v51, v34  }
0xa6: {  	v61 =	vor.u32 v18, v32;
	v56 =	vld.idx.msk [tilespmem:v62+s13+$0x0], $0xffff  }
0xa7: {  	v58 =	vor.u32 v18, v33;
	v42 =	vld.idx.msk [tilespmem:v53+s14+$0x0], $0xffff;
	v59 =	vmul.f32 v41, v48;
	v34 =	vadd.f32 v55, v34  }
0xa8: {  	v49 =	vor.u32 v19, v32;
	v60 =	vld.idx.msk [tilespmem:v50+s13+$0x0], $0xffff  }
0xa9: {  	v62 =	vor.u32 v19, v33;
	v39 =	vld.idx.msk [tilespmem:v57+s14+$0x0], $0xffff;
	v63 =	vmul.f32 v43, v52;
	v34 =	vadd.f32 v59, v34  }
0xaa: {  	v53 =	vor.u32 v20, v32;
	v48 =	vld.idx.msk [tilespmem:v54+s13+$0x0], $0xffff  }
0xab: {  	v50 =	vor.u32 v20, v33;
	v41 =	vld.idx.msk [tilespmem:v61+s14+$0x0], $0xffff;
	v51 =	vmul.f32 v40, v56;
	v34 =	vadd.f32 v63, v34  }
0xac: {  	v57 =	vor.u32 v21, v32;
	v52 =	vld.idx.msk [tilespmem:v58+s13+$0x0], $0xffff  }
0xad: {  	v54 =	vor.u32 v21, v33;
	v43 =	vld.idx.msk [tilespmem:v49+s14+$0x0], $0xffff;
	v55 =	vmul.f32 v42, v60;
	v34 =	vadd.f32 v51, v34  }
0xae: {  	v61 =	vor.u32 v22, v32;
	v56 =	vld.idx.msk [tilespmem:v62+s13+$0x0], $0xffff  }
0xaf: {  	v58 =	vor.u32 v22, v33;
	v40 =	vld.idx.msk [tilespmem:v53+s14+$0x0], $0xffff;
	v59 =	vmul.f32 v39, v48;
	v34 =	vadd.f32 v55, v34  }
0xb0: {  	v49 =	vor.u32 v23, v32;
	v60 =	vld.idx.msk [tilespmem:v50+s13+$0x0], $0xffff  }
0xb1: {  	v62 =	vor.u32 v23, v33;
	v42 =	vld.idx.msk [tilespmem:v57+s14+$0x0], $0xffff;
	v63 =	vmul.f32 v41, v52;
	v34 =	vadd.f32 v59, v34  }
0xb2: {  	v53 =	vor.u32 v24, v32;
	v48 =	vld.idx.msk [tilespmem:v54+s13+$0x0], $0xffff  }
0xb3: {  	v50 =	vor.u32 v24, v33;
	v39 =	vld.idx.msk [tilespmem:v61+s14+$0x0], $0xffff;
	v51 =	vmul.f32 v43, v56;
	v34 =	vadd.f32 v63, v34  }
0xb4: {  	v57 =	vor.u32 v25, v32;
	v52 =	vld.idx.msk [tilespmem:v58+s13+$0x0], $0xffff  }
0xb5: {  	v54 =	vor.u32 v25, v33;
	v41 =	vld.idx.msk [tilespmem:v49+s14+$0x0], $0xffff;
	v55 =	vmul.f32 v40, v60;
	v34 =	vadd.f32 v51, v34  }
0xb6: {  	v61 =	vor.u32 v26, v32;
	v56 =	vld.idx.msk [tilespmem:v62+s13+$0x0], $0xffff  }
0xb7: {  	v58 =	vor.u32 v26, v33;
	v43 =	vld.idx.msk [tilespmem:v53+s14+$0x0], $0xffff;
	v59 =	vmul.f32 v42, v48;
	v34 =	vadd.f32 v55, v34  }
0xb8: {  	v49 =	vor.u32 v27, v32;
	v60 =	vld.idx.msk [tilespmem:v50+s13+$0x0], $0xffff  }
0xb9: {  	v62 =	vor.u32 v27, v33;
	v40 =	vld.idx.msk [tilespmem:v57+s14+$0x0], $0xffff;
	v63 =	vmul.f32 v39, v52;
	v34 =	vadd.f32 v59, v34  }
0xba: {  	v53 =	vor.u32 v28, v32;
	v48 =	vld.idx.msk [tilespmem:v54+s13+$0x0], $0xffff  }
0xbb: {  	v50 =	vor.u32 v28, v33;
	v42 =	vld.idx.msk [tilespmem:v61+s14+$0x0], $0xffff;
	v51 =	vmul.f32 v41, v56;
	v34 =	vadd.f32 v63, v34  }
0xbc: {  	v57 =	vor.u32 v29, v32;
	v52 =	vld.idx.msk [tilespmem:v58+s13+$0x0], $0xffff  }
0xbd: {  	v54 =	vor.u32 v29, v33;
	v39 =	vld.idx.msk [tilespmem:v49+s14+$0x0], $0xffff;
	v55 =	vmul.f32 v43, v60;
	v34 =	vadd.f32 v51, v34  }
0xbe: {  	v61 =	vor.u32 v30, v32;
	v56 =	vld.idx.msk [tilespmem:v62+s13+$0x0], $0xffff  }
0xbf: {  	v58 =	vor.u32 v30, v33;
	v41 =	vld.idx.msk [tilespmem:v53+s14+$0x0], $0xffff;
	v59 =	vmul.f32 v40, v48;
	v34 =	vadd.f32 v55, v34  }
0xc0: {  	v32 =	vor.u32 v31, v32;
	v60 =	vld.idx.msk [tilespmem:v50+s13+$0x0], $0xffff  }
0xc1: {  	v33 =	vor.u32 v31, v33;
	v46 =	vld.idx.msk [tilespmem:v57+s14+$0x0], $0xffff;
	v62 =	vmul.f32 v42, v52;
	v34 =	vadd.f32 v59, v34  }
0xc2: {  	v63 =	vld.idx.msk [tilespmem:v54+s13+$0x0], $0xffff  }
0xc3: {  	v49 =	vld.idx.msk [tilespmem:v61+s14+$0x0], $0xffff;
	v47 =	vmul.f32 v39, v56;
	v34 =	vadd.f32 v62, v34  }
0xc4: {  	v48 =	vld.idx.msk [tilespmem:v58+s13+$0x0], $0xffff  }
0xc5: {  	v32 =	vld.idx.msk [tilespmem:v32+s14+$0x0], $0xffff;
	v50 =	vmul.f32 v41, v60;
	v34 =	vadd.f32 v47, v34  }
0xc6: {  	v33 =	vld.idx.msk [tilespmem:v33+s13+$0x0], $0xffff  }
0xc7: {  	v51 =	vmul.f32 v46, v63;
	v34 =	vadd.f32 v50, v34;
	_ =	sdelay $0x1  }
0xc8: {  	v52 =	vmul.f32 v49, v48;
	v34 =	vadd.f32 v51, v34;
	_ =	sdelay $0x1  }
0xc9: {  	v32 =	vmul.f32 v32, v33;
	v34 =	vadd.f32 v52, v34;
	_ =	sdelay $0x1  }
0xca: {  	v32 =	vadd.f32 v32, v34  }
0xcb: {  	s3 =	smin.u32 s31, $0x7D  }
0xcc: {  	s0 =	sshll.u32 s3, $0x2;
	[tilespmem:s30+$0xFFFFFFFC] =	vst.msk $0xf, v32  }
0xcd: {  	v32 =	vld [tilespmem:s0+$0x8];
	_ =	sdelay $0x1  }
0xce: {  	v53 =	vld [tilespmem:s0+$0x288];
	_ =	sdelay $0x2  }
0xcf: {  	(v2sf) =	vpush v32, $0x0;
	_ =	sdelay $0x1  }
0xd0: {  	(v2sf) =	vpush v53, $0x0;
	_ =	sdelay $0x2  }
0xd1: {  	(v2sf) =	vpush v32, $0x1;
	_ =	sdelay $0x2  }
0xd2: {  	(v2sf) =	vpush v53, $0x1;
	_ =	sdelay $0x2  }
0xd3: {  	(v2sf) =	vpush v32, $0x2;
	_ =	sdelay $0x3  }
0xd4: {  	s3 =	spop (v2sf)  }
0xd5: {  	(v2sf) =	vpush v53, $0x2;
	s0 =	sand.u32 $0xFFFFF80, s3  }
0xd6: {  	s3 =	spop (v2sf);
	(v2sf) =	vpush v32, $0x3;
	s0 =	sadd.s32 s1, s0  }
0xd7: {  	[tilespmem:s13], [sflag:$0x1] =	stream.strided.gather [hbm4b:s0+s12], $0x1000, s11, s12, $0x38;
	[tilespmem:$0x10780] =	vst v63  }
0xd8: {  	s0 =	sand.u32 $0xFFFFF80, s3  }
0xd9: {  	s3 =	spop (v2sf);
	(v2sf) =	vpush v53, $0x3;
	s0 =	sadd.s32 s2, s0  }
0xda: {  	[tilespmem:s14], [sflag:$0x1] =	stream.strided.gather [hbm4b:s0+s12], $0x1000, s11, s12, $0x38;
	[tilespmem:$0x10780] =	vst v63  }
0xdb: {  	s0 =	sand.u32 $0xFFFFF80, s3  }
0xdc: {  	s3 =	spop (v2sf);
	s0 =	sadd.s32 s1, s0  }
0xdd: {  	[tilespmem:s15], [sflag:$0x1] =	stream.strided.gather [hbm4b:s0+s12], $0x1000, s11, s12, $0x38;
	[tilespmem:$0x10780] =	vst v63  }
0xde: {  	s0 =	sand.u32 $0xFFFFF80, s3  }
0xdf: {  	s3 =	spop (v2sf);
	s0 =	sadd.s32 s2, s0  }
0xe0: {  	[tilespmem:s16], [sflag:$0x1] =	stream.strided.gather [hbm4b:s0+s12], $0x1000, s11, s12, $0x38;
	[tilespmem:$0x10780] =	vst v63  }
0xe1: {  	s0 =	sand.u32 $0xFFFFF80, s3  }
0xe2: {  	s0 =	sadd.s32 s1, s0  }
0xe3: {  	[tilespmem:s17], [sflag:$0x1] =	stream.strided.gather [hbm4b:s0+s12], $0x1000, s11, s12, $0x38;
	[tilespmem:$0x10780] =	vst v63  }
0xe4: {  	s3 =	spop (v2sf)  }
0xe5: {  	s0 =	sand.u32 $0xFFFFF80, s3;
	s3 =	spop (v2sf)  }
0xe6: {  	s0 =	sadd.s32 s2, s0;
	s3 =	sand.u32 $0xFFFFF80, s3  }
0xe7: {  	[tilespmem:s18], [sflag:$0x1] =	stream.strided.gather [hbm4b:s0+s12], $0x1000, s11, s12, $0x38;
	[tilespmem:$0x10780] =	vst v63  }
0xe8: {  	s0 =	sadd.s32 s1, s3;
	s3 =	spop (v2sf)  }
0xe9: {  	[tilespmem:s19], [sflag:$0x1] =	stream.strided.gather [hbm4b:s0+s12], $0x1000, s11, s12, $0x38;
	[tilespmem:$0x10780] =	vst v63  }
0xea: {  	s0 =	sand.u32 $0xFFFFF80, s3  }
0xeb: {  	s0 =	sadd.s32 s2, s0  }
0xec: {  	[tilespmem:s20], [sflag:$0x1] =	stream.strided.gather [hbm4b:s0+s12], $0x1000, s11, s12, $0x38;
	[tilespmem:$0x10780] =	vst v63  }
0xed: {  	_ =	swait.ge [sflag:s24], $0x1000  }
0xee: {  	[sflag:s24] =	ssyncset.done $0x0  }
0xef: {  	[sflag:s24] =	ssyncadd.s32 $0xFFFFF000  }
0xf0: {  	_ =	swait.ge [sflag:s24], $0x1000  }
0xf1: {  	[sflag:s24] =	ssyncset.done $0x0  }
0xf2: {  	[sflag:s24] =	ssyncadd.s32 $0xFFFFF000  }
0xf3: {  	_ =	swait.ge [sflag:s24], $0x1000  }
0xf4: {  	[sflag:s24] =	ssyncset.done $0x0  }
0xf5: {  	[sflag:s24] =	ssyncadd.s32 $0xFFFFF000  }
0xf6: {  	_ =	swait.ge [sflag:s24], $0x1000  }
0xf7: {  	[sflag:s24] =	ssyncset.done $0x0  }
0xf8: {  	[sflag:s24] =	ssyncadd.s32 $0xFFFFF000  }
0xf9: {  	_ =	swait.ge [sflag:s24], $0x1000  }
0xfa: {  	[sflag:s24] =	ssyncset.done $0x0  }
0xfb: {  	[sflag:s24] =	ssyncadd.s32 $0xFFFFF000  }
0xfc: {  	_ =	swait.ge [sflag:s24], $0x1000  }
0xfd: {  	[sflag:s24] =	ssyncset.done $0x0  }
0xfe: {  	[sflag:s24] =	ssyncadd.s32 $0xFFFFF000  }
0xff: {  	_ =	swait.ge [sflag:s24], $0x1000  }
0x100: {  	[sflag:s24] =	ssyncset.done $0x0  }
0x101: {  	[sflag:s24] =	ssyncadd.s32 $0xFFFFF000  }
0x102: {  	_ =	swait.ge [sflag:s24], $0x1000  }
0x103: {  	[sflag:s24] =	ssyncset.done $0x0  }
0x104: {  	[sflag:s24] =	ssyncadd.s32 $0xFFFFF000  }
0x105: {  	v54 =	vld [tilespmem:s29+$0x0]  }
0x106: {  	v55 =	vld [tilespmem:s28+$0x0];
	_ =	sdelay $0x3  }
0x107: {  	v33 =	vand.u32 $0x7F, v54  }
0x108: {  	v32 =	vand.u32 $0x7F, v55;
	v56 =	vor.u32 v0, v33  }
0x109: {  	v57 =	vor.u32 v0, v32  }
0x10a: {  	v58 =	vor.u32 v1, v33  }
0x10b: {  	v59 =	vor.u32 v1, v32  }
0x10c: {  	v60 =	vor.u32 v2, v33  }
0x10d: {  	v61 =	vor.u32 v2, v32;
	v34 =	vld.idx.msk [tilespmem:v56+s21+$0x0], $0xffff  }
0x10e: {  	v62 =	vor.u32 v3, v33;
	v35 =	vld.idx.msk [tilespmem:v57+s22+$0x0], $0xffff  }
0x10f: {  	v63 =	vor.u32 v3, v32;
	v36 =	vld.idx.msk [tilespmem:v58+s21+$0x0], $0xffff  }
0x110: {  	v48 =	vor.u32 v4, v33;
	v37 =	vld.idx.msk [tilespmem:v59+s22+$0x0], $0xffff  }
0x111: {  	v49 =	vor.u32 v4, v32;
	v38 =	vld.idx.msk [tilespmem:v60+s21+$0x0], $0xffff  }
0x112: {  	v50 =	vor.u32 v5, v33;
	v39 =	vld.idx.msk [tilespmem:v61+s22+$0x0], $0xffff  }
0x113: {  	v52 =	vor.u32 v5, v32;
	v51 =	vld.idx.msk [tilespmem:v62+s21+$0x0], $0xffff;
	v34 =	vmul.f32 v35, v34  }
0x114: {  	v53 =	vor.u32 v6, v33;
	v41 =	vld.idx.msk [tilespmem:v63+s22+$0x0], $0xffff  }
0x115: {  	v55 =	vor.u32 v6, v32;
	v54 =	vld.idx.msk [tilespmem:v48+s21+$0x0], $0xffff;
	v36 =	vmul.f32 v37, v36;
	v34 =	vadd.f32 $0.0e+00, v34  }
0x116: {  	v43 =	vld.idx.msk [tilespmem:v49+s22+$0x0], $0xffff;
	v56 =	vor.u32 v7, v33  }
0x117: {  	v58 =	vld.idx.msk [tilespmem:v50+s21+$0x0], $0xffff;
	v59 =	vor.u32 v7, v32;
	v57 =	vmul.f32 v39, v38;
	v34 =	vadd.f32 v36, v34  }
0x118: {  	v40 =	vld.idx.msk [tilespmem:v52+s22+$0x0], $0xffff;
	v60 =	vor.u32 v8, v33  }
0x119: {  	v61 =	vld.idx.msk [tilespmem:v53+s21+$0x0], $0xffff;
	v62 =	vor.u32 v8, v32;
	v35 =	vmul.f32 v41, v51;
	v34 =	vadd.f32 v57, v34  }
0x11a: {  	v42 =	vld.idx.msk [tilespmem:v55+s22+$0x0], $0xffff;
	v50 =	vor.u32 v9, v32  }
0x11b: {  	v63 =	vor.u32 v9, v33;
	v48 =	vmul.f32 v43, v54;
	v49 =	vld.idx.msk [tilespmem:v56+s21+$0x0], $0xffff;
	v34 =	vadd.f32 v35, v34  }
0x11c: {  	v39 =	vld.idx.msk [tilespmem:v59+s22+$0x0], $0xffff;
	v51 =	vor.u32 v10, v33  }
0x11d: {  	v52 =	vmul.f32 v40, v58;
	v53 =	vld.idx.msk [tilespmem:v60+s21+$0x0], $0xffff;
	v54 =	vor.u32 v10, v32;
	v34 =	vadd.f32 v48, v34  }
0x11e: {  	v55 =	vor.u32 v11, v33;
	v41 =	vld.idx.msk [tilespmem:v62+s22+$0x0], $0xffff  }
0x11f: {  	v56 =	vmul.f32 v42, v61;
	v58 =	vor.u32 v11, v32;
	v43 =	vld.idx.msk [tilespmem:v50+s22+$0x0], $0xffff;
	v34 =	vadd.f32 v52, v34  }
0x120: {  	v62 =	vor.u32 v12, v32;
	v57 =	vld.idx.msk [tilespmem:v63+s21+$0x0], $0xffff  }
0x121: {  	v59 =	vor.u32 v12, v33;
	v60 =	vmul.f32 v39, v49;
	v61 =	vld.idx.msk [tilespmem:v51+s21+$0x0], $0xffff;
	v34 =	vadd.f32 v56, v34  }
0x122: {  	v50 =	vor.u32 v13, v32;
	v40 =	vld.idx.msk [tilespmem:v54+s22+$0x0], $0xffff  }
0x123: {  	v49 =	vld.idx.msk [tilespmem:v55+s21+$0x0], $0xffff;
	v63 =	vor.u32 v13, v33;
	v48 =	vmul.f32 v41, v53;
	v34 =	vadd.f32 v60, v34  }
0x124: {  	v42 =	vld.idx.msk [tilespmem:v58+s22+$0x0], $0xffff;
	v54 =	vor.u32 v14, v32  }
0x125: {  	v51 =	vor.u32 v14, v33;
	v39 =	vld.idx.msk [tilespmem:v62+s22+$0x0], $0xffff;
	v52 =	vmul.f32 v43, v57;
	v34 =	vadd.f32 v48, v34  }
0x126: {  	v58 =	vor.u32 v15, v32;
	v53 =	vld.idx.msk [tilespmem:v59+s21+$0x0], $0xffff  }
0x127: {  	v55 =	vor.u32 v15, v33;
	v41 =	vld.idx.msk [tilespmem:v50+s22+$0x0], $0xffff;
	v56 =	vmul.f32 v40, v61;
	v34 =	vadd.f32 v52, v34  }
0x128: {  	v62 =	vor.u32 v16, v32;
	v57 =	vld.idx.msk [tilespmem:v63+s21+$0x0], $0xffff  }
0x129: {  	v59 =	vor.u32 v16, v33;
	v43 =	vld.idx.msk [tilespmem:v54+s22+$0x0], $0xffff;
	v60 =	vmul.f32 v42, v49;
	v34 =	vadd.f32 v56, v34  }
0x12a: {  	v50 =	vor.u32 v17, v32;
	v61 =	vld.idx.msk [tilespmem:v51+s21+$0x0], $0xffff  }
0x12b: {  	v63 =	vor.u32 v17, v33;
	v40 =	vld.idx.msk [tilespmem:v58+s22+$0x0], $0xffff;
	v48 =	vmul.f32 v39, v53;
	v34 =	vadd.f32 v60, v34  }
0x12c: {  	v54 =	vor.u32 v18, v32;
	v49 =	vld.idx.msk [tilespmem:v55+s21+$0x0], $0xffff  }
0x12d: {  	v51 =	vor.u32 v18, v33;
	v42 =	vld.idx.msk [tilespmem:v62+s22+$0x0], $0xffff;
	v52 =	vmul.f32 v41, v57;
	v34 =	vadd.f32 v48, v34  }
0x12e: {  	v58 =	vor.u32 v19, v32;
	v53 =	vld.idx.msk [tilespmem:v59+s21+$0x0], $0xffff  }
0x12f: {  	v55 =	vor.u32 v19, v33;
	v39 =	vld.idx.msk [tilespmem:v50+s22+$0x0], $0xffff;
	v56 =	vmul.f32 v43, v61;
	v34 =	vadd.f32 v52, v34  }
0x130: {  	v62 =	vor.u32 v20, v32;
	v57 =	vld.idx.msk [tilespmem:v63+s21+$0x0], $0xffff  }
0x131: {  	v59 =	vor.u32 v20, v33;
	v41 =	vld.idx.msk [tilespmem:v54+s22+$0x0], $0xffff;
	v60 =	vmul.f32 v40, v49;
	v34 =	vadd.f32 v56, v34  }
0x132: {  	v50 =	vor.u32 v21, v32;
	v61 =	vld.idx.msk [tilespmem:v51+s21+$0x0], $0xffff  }
0x133: {  	v63 =	vor.u32 v21, v33;
	v43 =	vld.idx.msk [tilespmem:v58+s22+$0x0], $0xffff;
	v48 =	vmul.f32 v42, v53;
	v34 =	vadd.f32 v60, v34  }
0x134: {  	v54 =	vor.u32 v22, v32;
	v49 =	vld.idx.msk [tilespmem:v55+s21+$0x0], $0xffff  }
0x135: {  	v51 =	vor.u32 v22, v33;
	v40 =	vld.idx.msk [tilespmem:v62+s22+$0x0], $0xffff;
	v52 =	vmul.f32 v39, v57;
	v34 =	vadd.f32 v48, v34  }
0x136: {  	v58 =	vor.u32 v23, v32;
	v53 =	vld.idx.msk [tilespmem:v59+s21+$0x0], $0xffff  }
0x137: {  	v55 =	vor.u32 v23, v33;
	v42 =	vld.idx.msk [tilespmem:v50+s22+$0x0], $0xffff;
	v56 =	vmul.f32 v41, v61;
	v34 =	vadd.f32 v52, v34  }
0x138: {  	v62 =	vor.u32 v24, v32;
	v57 =	vld.idx.msk [tilespmem:v63+s21+$0x0], $0xffff  }
0x139: {  	v59 =	vor.u32 v24, v33;
	v39 =	vld.idx.msk [tilespmem:v54+s22+$0x0], $0xffff;
	v60 =	vmul.f32 v43, v49;
	v34 =	vadd.f32 v56, v34  }
0x13a: {  	v50 =	vor.u32 v25, v32;
	v61 =	vld.idx.msk [tilespmem:v51+s21+$0x0], $0xffff  }
0x13b: {  	v63 =	vor.u32 v25, v33;
	v41 =	vld.idx.msk [tilespmem:v58+s22+$0x0], $0xffff;
	v48 =	vmul.f32 v40, v53;
	v34 =	vadd.f32 v60, v34  }
0x13c: {  	v54 =	vor.u32 v26, v32;
	v49 =	vld.idx.msk [tilespmem:v55+s21+$0x0], $0xffff  }
0x13d: {  	v51 =	vor.u32 v26, v33;
	v43 =	vld.idx.msk [tilespmem:v62+s22+$0x0], $0xffff;
	v52 =	vmul.f32 v42, v57;
	v34 =	vadd.f32 v48, v34  }
0x13e: {  	v58 =	vor.u32 v27, v32;
	v53 =	vld.idx.msk [tilespmem:v59+s21+$0x0], $0xffff  }
0x13f: {  	v55 =	vor.u32 v27, v33;
	v40 =	vld.idx.msk [tilespmem:v50+s22+$0x0], $0xffff;
	v56 =	vmul.f32 v39, v61;
	v34 =	vadd.f32 v52, v34  }
0x140: {  	v62 =	vor.u32 v28, v32;
	v57 =	vld.idx.msk [tilespmem:v63+s21+$0x0], $0xffff  }
0x141: {  	v59 =	vor.u32 v28, v33;
	v42 =	vld.idx.msk [tilespmem:v54+s22+$0x0], $0xffff;
	v60 =	vmul.f32 v41, v49;
	v34 =	vadd.f32 v56, v34  }
0x142: {  	v50 =	vor.u32 v29, v32;
	v61 =	vld.idx.msk [tilespmem:v51+s21+$0x0], $0xffff  }
0x143: {  	v63 =	vor.u32 v29, v33;
	v39 =	vld.idx.msk [tilespmem:v58+s22+$0x0], $0xffff;
	v48 =	vmul.f32 v43, v53;
	v34 =	vadd.f32 v60, v34  }
0x144: {  	v51 =	vor.u32 v30, v33;
	v49 =	vld.idx.msk [tilespmem:v55+s21+$0x0], $0xffff  }
0x145: {  	v54 =	vor.u32 v30, v32;
	v41 =	vld.idx.msk [tilespmem:v62+s22+$0x0], $0xffff;
	v52 =	vmul.f32 v40, v57;
	v34 =	vadd.f32 v48, v34  }
0x146: {  	v32 =	vor.u32 v31, v32;
	v53 =	vld.idx.msk [tilespmem:v59+s21+$0x0], $0xffff  }
0x147: {  	v33 =	vor.u32 v31, v33;
	v55 =	vmul.f32 v42, v61;
	v57 =	vld.idx.msk [tilespmem:v50+s22+$0x0], $0xffff;
	v34 =	vadd.f32 v52, v34  }
0x148: {  	v56 =	vld.idx.msk [tilespmem:v63+s21+$0x0], $0xffff  }
0x149: {  	v59 =	vld.idx.msk [tilespmem:v51+s21+$0x0], $0xffff;
	v58 =	vmul.f32 v39, v49;
	v34 =	vadd.f32 v55, v34  }
0x14a: {  	v60 =	vld.idx.msk [tilespmem:v54+s22+$0x0], $0xffff  }
0x14b: {  	v32 =	vld.idx.msk [tilespmem:v32+s22+$0x0], $0xffff;
	v61 =	vmul.f32 v41, v53;
	v34 =	vadd.f32 v58, v34  }
0x14c: {  	v33 =	vld.idx.msk [tilespmem:v33+s21+$0x0], $0xffff  }
0x14d: {  	v62 =	vmul.f32 v57, v56;
	v34 =	vadd.f32 v61, v34;
	_ =	sdelay $0x1  }
0x14e: {  	v63 =	vmul.f32 v60, v59;
	v34 =	vadd.f32 v62, v34  }
0x14f: {  	p0 =	sne.s32 s31, $0x7E  }
.Ltmp0:
0x150: {  	v32 =	vmul.f32 v32, v33;
	v34 =	vadd.f32 v63, v34;
	(pc) =	sbr.rel @p0 .LBB2_2-.Ltmp0, $4  }
0x151: {  	_ = 	snop  }
0x152: {  	v32 =	vadd.f32 v32, v34  }
0x153: {  	s31 =	sadd.s32 $0x2, s31  }
0x154: {  	s28 =	sadd.s32 $0x8, s28;
	s29 =	sadd.s32 $0x8, s29;
	[tilespmem:s30+$0x0] =	vst.msk $0xf, v32;
	s30 =	sadd.s32 $0x8, s30  }
0x155: {  	_ =	swait.ge [sflag:s23], $0x1000  }
0x156: {  	[sflag:s23] =	ssyncset.done $0x0  }
0x157: {  	[sflag:s23] =	ssyncadd.s32 $0xFFFFF000  }
0x158: {  	_ =	swait.ge [sflag:s23], $0x1000  }
0x159: {  	[sflag:s23] =	ssyncset.done $0x0  }
0x15a: {  	[sflag:s23] =	ssyncadd.s32 $0xFFFFF000  }
0x15b: {  	_ =	swait.ge [sflag:s23], $0x1000  }
0x15c: {  	[sflag:s23] =	ssyncset.done $0x0  }
0x15d: {  	[sflag:s23] =	ssyncadd.s32 $0xFFFFF000  }
0x15e: {  	_ =	swait.ge [sflag:s23], $0x1000  }
0x15f: {  	[sflag:s23] =	ssyncset.done $0x0  }
0x160: {  	[sflag:s23] =	ssyncadd.s32 $0xFFFFF000  }
0x161: {  	_ =	swait.ge [sflag:s23], $0x1000  }
0x162: {  	[sflag:s23] =	ssyncset.done $0x0  }
0x163: {  	[sflag:s23] =	ssyncadd.s32 $0xFFFFF000  }
0x164: {  	_ =	swait.ge [sflag:s23], $0x1000  }
0x165: {  	[sflag:s23] =	ssyncset.done $0x0  }
0x166: {  	[sflag:s23] =	ssyncadd.s32 $0xFFFFF000  }
0x167: {  	_ =	swait.ge [sflag:s23], $0x1000  }
0x168: {  	[sflag:s23] =	ssyncset.done $0x0  }
0x169: {  	[sflag:s23] =	ssyncadd.s32 $0xFFFFF000  }
0x16a: {  	s26 =	sadd.s32 $0x1, s26;
	_ =	swait.ge [sflag:s23], $0x1000  }
0x16b: {  	p0 =	sne.s32 s26, s8;
	[sflag:s23] =	ssyncset.done $0x0  }
.Ltmp1:
0x16c: {  	[sflag:s23] =	ssyncadd.s32 $0xFFFFF000;
	(pc) =	sbr.rel @p0 .LBB2_1-.Ltmp1, $4  }
0x16d: {  	[hbm4b:s7+s4] =	stream.linear.scatter [tilespmem:s25], [sflag:$0x3], $0x200, $0x38;
	[tilespmem:$0x10780] =	vst v63  }
0x16e: {  	_ =	swait.ge [sflag:s9], $0x200  }
0x16f: {  	[sflag:s9] =	ssyncset.done $0x0  }
0x170: {  	[sflag:s9] =	ssyncadd.s32 $0xFFFFFE00  }
0x171: {  	_ =	sfence.sel $0x180000  }
0x172: {  	[bflag:$0x0] =	sbarrier.arrive $0xFFFF  }
0x173: {  	_ =	strace $0x90000047  }
0x174: {  	s0 =	stileid.u32;
	[bflag:$0x2] =	sbarrier.arrive $0xFFFF  }
0x175: {  	p0 =	sne.s32 s0, $0x0;
	s0 =	rddreg [dreg:$0x5]  }
0x176: {  	s0 =	sadd.s32 @!p0 $0x100000, s0  }
0x177: {  	[sflag:s0] =	ssyncadd.tile.s32 @!p0 $0x1;
	_ =	shalt  }
.Lfunc_end2:
_tile_overlayer_lowered:
.L_overlay_start_2:
0x178: {  	(tag) =	ssettag $0x2  }
0x179: {  	s0 =	rddreg [dreg:$0x0];
	s2 =	stileid.u32  }
0x17a: {  	s1 =	rddreg [dreg:$0x1];
	p0 =	sne.s32 s2, $0x0  }
0x17b: {  	s3 =	rddreg [dreg:$0x2];
	[bflag:$0x3] =	sbarrier.arrive $0xFFFF;
	s2 =	simm.s32 @!p0 $0x1C03  }
0x17c: {  	[timem:s3], [sflag:s2] =	dma.local @!p0 [hbm:s0], s1  }
0x17d: {  	s0 =	simm.s32 @!p0 $0x3  }
0x17e: {  	_ =	swait.ge @!p0 [sflag:s0], s1  }
0x17f: {  	s1 =	ssub.s32 @!p0 $0x0, s1;
	[sflag:s0] =	ssyncset.done @!p0 $0x0  }
0x180: {  	[sflag:s0] =	ssyncadd.s32 @!p0 s1  }
0x181: {  	[bflag:$0x3] =	sbarrier.arrive $0xFFFF  }
0x182: {  	_ =	shalt  }

</sc_bundles>
